<compile_context>
chip_gen: v7x
topology: tpu7x:2x2x1
jax: 0.10.2.dev20260603
libtpu: 0.0.44.dev20260713+nightly
codegen_flags: <defaults>
</compile_context>

<pallas_src>
import jax
import jax.numpy as jnp
from jax import lax
from jax.experimental import pallas as pl
from jax.experimental.pallas import tpu as pltpu
from jax.experimental.pallas import tpu_sc as plsc

NC, NS = 2, 16
NW = NC * NS
NBUF = 8


def _gather_body(table_hbm, x_hbm, out_hbm, idx_v, bufs, gsem, osem):
    rows_w = x_hbm.shape[0] // NW
    ngroup = rows_w // NBUF
    wid = lax.axis_index("s") * NC + lax.axis_index("c")
    base = wid * rows_w

    pltpu.sync_copy(x_hbm.at[pl.ds(base, rows_w)], idx_v)

    def start_gather(j, b):
        return pltpu.async_copy(table_hbm.at[idx_v.at[j]], bufs.at[b], gsem.at[b])

    def start_out(j, b):
        pltpu.async_copy(bufs.at[b], out_hbm.at[base + j], osem.at[b])

    def wait_out(b):
        pltpu.make_async_copy(bufs.at[b], out_hbm.at[base], osem.at[b]).wait()

    hs = [start_gather(b, b) for b in range(NBUF)]
    for b in range(NBUF):
        hs[b].wait()
        start_out(b, b)

    def group(g, carry):
        hg = []
        for b in range(NBUF):
            wait_out(b)
            hg.append(start_gather(g * NBUF + b, b))
        for b in range(NBUF):
            hg[b].wait()
            start_out(g * NBUF + b, b)
        return carry

    lax.fori_loop(1, ngroup, group, 0)

    for b in range(NBUF):
        wait_out(b)


def kernel(x, table):
    B, S = x.shape
    V, D = table.shape
    rows_w = B // NW
    mesh = plsc.VectorSubcoreMesh(core_axis_name="c", subcore_axis_name="s")
    out = pl.kernel(
        _gather_body,
        out_type=jax.ShapeDtypeStruct((B, S, D), table.dtype),
        mesh=mesh,
        scratch_types=[
            pltpu.VMEM((rows_w, S), jnp.int32),
            pltpu.VMEM((NBUF, S, D), jnp.float32),
            pltpu.SemaphoreType.DMA((NBUF,)),
            pltpu.SemaphoreType.DMA((NBUF,)),
        ],
    )(table, x.astype(jnp.int32))
    return out

# --- scband reference (transcript-rebuilt; emitter-appended) ---
"""Pipeline reference for scband-embedding-52767968199146 (READ-ONLY COPY).

The authoritative reference and input builder live on the scoring server;
editing this copy changes nothing except your own understanding.
"""

import jax, jax.numpy as jnp
import numpy as np

VOCAB = 100000
EMBED_DIM = 128
BATCH = 4096
SEQ_LEN = 50


def setup_inputs(seed: int = 0) -> dict:
    key = jax.random.key(seed)
    k_idx, k_tab = jax.random.split(key)
    x = jax.random.randint(k_idx, (BATCH, SEQ_LEN), 0, VOCAB, dtype=jnp.int64 if jax.config.jax_enable_x64 else jnp.int32)
    table = jax.random.normal(k_tab, (VOCAB, EMBED_DIM), dtype=jnp.float32)
    return {"x": x, "table": table}


def reference(x, table):
    # Embedding.forward in eval mode: word_dropout and dropout are inactive
    # (word_dropout only applies when self.training is True; dropout p=0.0).
    # So forward is a pure embedding gather: out[b, s, :] = table[x[b, s], :]
    out = jnp.take(table, x, axis=0)
    return out

if __name__ == "__main__":
    import jax
    _d = setup_inputs()
    print(jax.jit(kernel)(*tuple(_d.values())))

</pallas_src>

<mosaic_0001>
#map = affine_map<(d0, d1) -> (0, 0)>
#map1 = affine_map<(d0, d1) -> (0, 0, 0)>
module attributes {stable_mosaic.version = 14 : i64} {
  func.func @_gather_body(%arg0: i32, %arg1: i32, %arg2: memref<100000x128xf32, #tpu.memory_space<hbm>>, %arg3: memref<4096x50xi32, #tpu.memory_space<hbm>>, %arg4: memref<4096x50x128xf32, #tpu.memory_space<hbm>>, %arg5: memref<128x50xi32, #tpu.memory_space<vmem>>, %arg6: memref<8x50x128xf32, #tpu.memory_space<vmem>>, %arg7: memref<8x!tpu.dma_semaphore, #tpu.memory_space<semaphore_mem>>, %arg8: memref<8x!tpu.dma_semaphore, #tpu.memory_space<semaphore_mem>>) attributes {dimension_semantics = [#tpu.dimension_semantics<core_parallel>, #tpu.dimension_semantics<subcore_parallel>], iteration_bounds = array<i64: 2, 16>, scalar_prefetch = 0 : i64, scratch_operands = 4 : i64, tpu.core_type = #tpu.core_type<sc_vector_subcore>, window_params = [{transform_indices = #map}, {transform_indices = #map}, {transform_indices = #map1}]} {
    %mul3A = arith.constant 2 : i32
    %mul3A_0 = arith.muli %arg1, %mul3A : i32
    %add3A = arith.addi %mul3A_0, %arg0 : i32
    %mul3A_1 = arith.constant 128 : i32
    %mul3A_2 = arith.muli %add3A, %mul3A_1 : i32
    "tpu.region"() ({
      %run_scoped3A = tpu.sem_alloc : memref<!tpu.dma_semaphore, #tpu.memory_space<semaphore_mem>>
      %dma_start3A_582 = arith.constant 0 : i32
      %dma_start3A_583 = tpu.memref_slice %arg3[%mul3A_2, %dma_start3A_582] : memref<4096x50xi32, #tpu.memory_space<hbm>> -> memref<128x50xi32, #tpu.memory_space<hbm>>
      %dma_start3A_584 = arith.constant 0 : i32
      %dma_start3A_585 = tpu.memref_slice %arg3[%mul3A_2, %dma_start3A_584] : memref<4096x50xi32, #tpu.memory_space<hbm>> -> memref<128x50xi32, #tpu.memory_space<hbm>>
      tpu.enqueue_dma source(%dma_start3A_585 : memref<128x50xi32, #tpu.memory_space<hbm>>) target(%arg5 : memref<128x50xi32, #tpu.memory_space<vmem>>) target_semaphore(%run_scoped3A : memref<!tpu.dma_semaphore, #tpu.memory_space<semaphore_mem>>)
      %dma_wait3A_586 = arith.constant 0 : i32
      %dma_wait3A_587 = tpu.memref_slice %arg3[%mul3A_2, %dma_wait3A_586] : memref<4096x50xi32, #tpu.memory_space<hbm>> -> memref<128x50xi32, #tpu.memory_space<hbm>>
      %dma_wait3A_588 = arith.constant 0 : i32
      %dma_wait3A_589 = tpu.memref_slice %arg3[%mul3A_2, %dma_wait3A_588] : memref<4096x50xi32, #tpu.memory_space<hbm>> -> memref<128x50xi32, #tpu.memory_space<hbm>>
      tpu.wait_dma2 semaphore(%run_scoped3A : memref<!tpu.dma_semaphore, #tpu.memory_space<semaphore_mem>>) src(%dma_wait3A_589 : memref<128x50xi32, #tpu.memory_space<hbm>>) dst(%arg5 : memref<128x50xi32, #tpu.memory_space<vmem>>)
      tpu.yield
    }) : () -> ()
    %dma_start3A = arith.constant 0 : i32
    %dma_start3A_3 = arith.constant 0 : i32
    %dma_start3A_4 = arith.constant 0 : i32
    %dma_start3A_5 = arith.constant 0 : i32
    %dma_start3A_6 = arith.constant 0 : i32
    %dma_start3A_7 = tpu.memref_slice %arg6[%dma_start3A_3, %dma_start3A_5, %dma_start3A_6] : memref<8x50x128xf32, #tpu.memory_space<vmem>> -> memref<1x50x128xf32, #tpu.memory_space<vmem>>
    %dma_start3A_8 = tpu.memref_squeeze %dma_start3A_7 : memref<1x50x128xf32, #tpu.memory_space<vmem>> -> memref<50x128xf32, #tpu.memory_space<vmem>>
    %dma_start3A_9 = arith.constant 0 : i32
    %dma_start3A_10 = tpu.memref_slice %arg5[%dma_start3A, %dma_start3A_9] : memref<128x50xi32, #tpu.memory_space<vmem>> -> memref<1x50xi32, #tpu.memory_space<vmem>>
    %dma_start3A_11 = tpu.memref_squeeze %dma_start3A_10 : memref<1x50xi32, #tpu.memory_space<vmem>> -> memref<50xi32, #tpu.memory_space<vmem>>
    %dma_start3A_12 = arith.constant 0 : i32
    %dma_start3A_13 = arith.constant 0 : i32
    %dma_start3A_14 = tpu.memref_slice %arg2[%dma_start3A_12, %dma_start3A_13] : memref<100000x128xf32, #tpu.memory_space<hbm>> -> memref<100000x128xf32, #tpu.memory_space<hbm>>
    %dma_start3A_15 = tpu.memref_slice %arg7[%dma_start3A_4] : memref<8x!tpu.dma_semaphore, #tpu.memory_space<semaphore_mem>> -> memref<1x!tpu.dma_semaphore, #tpu.memory_space<semaphore_mem>>
    %dma_start3A_16 = tpu.memref_squeeze %dma_start3A_15 : memref<1x!tpu.dma_semaphore, #tpu.memory_space<semaphore_mem>> -> memref<!tpu.dma_semaphore, #tpu.memory_space<semaphore_mem>>
    tpu.enqueue_indirect_dma source(%dma_start3A_14 : memref<100000x128xf32, #tpu.memory_space<hbm>>) target(%dma_start3A_8 : memref<50x128xf32, #tpu.memory_space<vmem>>) offsets(%dma_start3A_11 : memref<50xi32, #tpu.memory_space<vmem>>) semaphore(%dma_start3A_16 : memref<!tpu.dma_semaphore, #tpu.memory_space<semaphore_mem>>)
    %dma_start3A_17 = arith.constant 1 : i32
    %dma_start3A_18 = arith.constant 1 : i32
    %dma_start3A_19 = arith.constant 1 : i32
    %dma_start3A_20 = arith.constant 0 : i32
    %dma_start3A_21 = arith.constant 0 : i32
    %dma_start3A_22 = tpu.memref_slice %arg6[%dma_start3A_18, %dma_start3A_20, %dma_start3A_21] : memref<8x50x128xf32, #tpu.memory_space<vmem>> -> memref<1x50x128xf32, #tpu.memory_space<vmem>>
    %dma_start3A_23 = tpu.memref_squeeze %dma_start3A_22 : memref<1x50x128xf32, #tpu.memory_space<vmem>> -> memref<50x128xf32, #tpu.memory_space<vmem>>
    %dma_start3A_24 = arith.constant 0 : i32
    %dma_start3A_25 = tpu.memref_slice %arg5[%dma_start3A_17, %dma_start3A_24] : memref<128x50xi32, #tpu.memory_space<vmem>> -> memref<1x50xi32, #tpu.memory_space<vmem>>
    %dma_start3A_26 = tpu.memref_squeeze %dma_start3A_25 : memref<1x50xi32, #tpu.memory_space<vmem>> -> memref<50xi32, #tpu.memory_space<vmem>>
    %dma_start3A_27 = arith.constant 0 : i32
    %dma_start3A_28 = arith.constant 0 : i32
    %dma_start3A_29 = tpu.memref_slice %arg2[%dma_start3A_27, %dma_start3A_28] : memref<100000x128xf32, #tpu.memory_space<hbm>> -> memref<100000x128xf32, #tpu.memory_space<hbm>>
    %dma_start3A_30 = tpu.memref_slice %arg7[%dma_start3A_19] : memref<8x!tpu.dma_semaphore, #tpu.memory_space<semaphore_mem>> -> memref<1x!tpu.dma_semaphore, #tpu.memory_space<semaphore_mem>>
    %dma_start3A_31 = tpu.memref_squeeze %dma_start3A_30 : memref<1x!tpu.dma_semaphore, #tpu.memory_space<semaphore_mem>> -> memref<!tpu.dma_semaphore, #tpu.memory_space<semaphore_mem>>
    tpu.enqueue_indirect_dma source(%dma_start3A_29 : memref<100000x128xf32, #tpu.memory_space<hbm>>) target(%dma_start3A_23 : memref<50x128xf32, #tpu.memory_space<vmem>>) offsets(%dma_start3A_26 : memref<50xi32, #tpu.memory_space<vmem>>) semaphore(%dma_start3A_31 : memref<!tpu.dma_semaphore, #tpu.memory_space<semaphore_mem>>)
    %dma_start3A_32 = arith.constant 2 : i32
    %dma_start3A_33 = arith.constant 2 : i32
    %dma_start3A_34 = arith.constant 2 : i32
    %dma_start3A_35 = arith.constant 0 : i32
    %dma_start3A_36 = arith.constant 0 : i32
    %dma_start3A_37 = tpu.memref_slice %arg6[%dma_start3A_33, %dma_start3A_35, %dma_start3A_36] : memref<8x50x128xf32, #tpu.memory_space<vmem>> -> memref<1x50x128xf32, #tpu.memory_space<vmem>>
    %dma_start3A_38 = tpu.memref_squeeze %dma_start3A_37 : memref<1x50x128xf32, #tpu.memory_space<vmem>> -> memref<50x128xf32, #tpu.memory_space<vmem>>
    %dma_start3A_39 = arith.constant 0 : i32
    %dma_start3A_40 = tpu.memref_slice %arg5[%dma_start3A_32, %dma_start3A_39] : memref<128x50xi32, #tpu.memory_space<vmem>> -> memref<1x50xi32, #tpu.memory_space<vmem>>
    %dma_start3A_41 = tpu.memref_squeeze %dma_start3A_40 : memref<1x50xi32, #tpu.memory_space<vmem>> -> memref<50xi32, #tpu.memory_space<vmem>>
    %dma_start3A_42 = arith.constant 0 : i32
    %dma_start3A_43 = arith.constant 0 : i32
    %dma_start3A_44 = tpu.memref_slice %arg2[%dma_start3A_42, %dma_start3A_43] : memref<100000x128xf32, #tpu.memory_space<hbm>> -> memref<100000x128xf32, #tpu.memory_space<hbm>>
    %dma_start3A_45 = tpu.memref_slice %arg7[%dma_start3A_34] : memref<8x!tpu.dma_semaphore, #tpu.memory_space<semaphore_mem>> -> memref<1x!tpu.dma_semaphore, #tpu.memory_space<semaphore_mem>>
    %dma_start3A_46 = tpu.memref_squeeze %dma_start3A_45 : memref<1x!tpu.dma_semaphore, #tpu.memory_space<semaphore_mem>> -> memref<!tpu.dma_semaphore, #tpu.memory_space<semaphore_mem>>
    tpu.enqueue_indirect_dma source(%dma_start3A_44 : memref<100000x128xf32, #tpu.memory_space<hbm>>) target(%dma_start3A_38 : memref<50x128xf32, #tpu.memory_space<vmem>>) offsets(%dma_start3A_41 : memref<50xi32, #tpu.memory_space<vmem>>) semaphore(%dma_start3A_46 : memref<!tpu.dma_semaphore, #tpu.memory_space<semaphore_mem>>)
    %dma_start3A_47 = arith.constant 3 : i32
    %dma_start3A_48 = arith.constant 3 : i32
    %dma_start3A_49 = arith.constant 3 : i32
    %dma_start3A_50 = arith.constant 0 : i32
    %dma_start3A_51 = arith.constant 0 : i32
    %dma_start3A_52 = tpu.memref_slice %arg6[%dma_start3A_48, %dma_start3A_50, %dma_start3A_51] : memref<8x50x128xf32, #tpu.memory_space<vmem>> -> memref<1x50x128xf32, #tpu.memory_space<vmem>>
    %dma_start3A_53 = tpu.memref_squeeze %dma_start3A_52 : memref<1x50x128xf32, #tpu.memory_space<vmem>> -> memref<50x128xf32, #tpu.memory_space<vmem>>
    %dma_start3A_54 = arith.constant 0 : i32
    %dma_start3A_55 = tpu.memref_slice %arg5[%dma_start3A_47, %dma_start3A_54] : memref<128x50xi32, #tpu.memory_space<vmem>> -> memref<1x50xi32, #tpu.memory_space<vmem>>
    %dma_start3A_56 = tpu.memref_squeeze %dma_start3A_55 : memref<1x50xi32, #tpu.memory_space<vmem>> -> memref<50xi32, #tpu.memory_space<vmem>>
    %dma_start3A_57 = arith.constant 0 : i32
    %dma_start3A_58 = arith.constant 0 : i32
    %dma_start3A_59 = tpu.memref_slice %arg2[%dma_start3A_57, %dma_start3A_58] : memref<100000x128xf32, #tpu.memory_space<hbm>> -> memref<100000x128xf32, #tpu.memory_space<hbm>>
    %dma_start3A_60 = tpu.memref_slice %arg7[%dma_start3A_49] : memref<8x!tpu.dma_semaphore, #tpu.memory_space<semaphore_mem>> -> memref<1x!tpu.dma_semaphore, #tpu.memory_space<semaphore_mem>>
    %dma_start3A_61 = tpu.memref_squeeze %dma_start3A_60 : memref<1x!tpu.dma_semaphore, #tpu.memory_space<semaphore_mem>> -> memref<!tpu.dma_semaphore, #tpu.memory_space<semaphore_mem>>
    tpu.enqueue_indirect_dma source(%dma_start3A_59 : memref<100000x128xf32, #tpu.memory_space<hbm>>) target(%dma_start3A_53 : memref<50x128xf32, #tpu.memory_space<vmem>>) offsets(%dma_start3A_56 : memref<50xi32, #tpu.memory_space<vmem>>) semaphore(%dma_start3A_61 : memref<!tpu.dma_semaphore, #tpu.memory_space<semaphore_mem>>)
    %dma_start3A_62 = arith.constant 4 : i32
    %dma_start3A_63 = arith.constant 4 : i32
    %dma_start3A_64 = arith.constant 4 : i32
    %dma_start3A_65 = arith.constant 0 : i32
    %dma_start3A_66 = arith.constant 0 : i32
    %dma_start3A_67 = tpu.memref_slice %arg6[%dma_start3A_63, %dma_start3A_65, %dma_start3A_66] : memref<8x50x128xf32, #tpu.memory_space<vmem>> -> memref<1x50x128xf32, #tpu.memory_space<vmem>>
    %dma_start3A_68 = tpu.memref_squeeze %dma_start3A_67 : memref<1x50x128xf32, #tpu.memory_space<vmem>> -> memref<50x128xf32, #tpu.memory_space<vmem>>
    %dma_start3A_69 = arith.constant 0 : i32
    %dma_start3A_70 = tpu.memref_slice %arg5[%dma_start3A_62, %dma_start3A_69] : memref<128x50xi32, #tpu.memory_space<vmem>> -> memref<1x50xi32, #tpu.memory_space<vmem>>
    %dma_start3A_71 = tpu.memref_squeeze %dma_start3A_70 : memref<1x50xi32, #tpu.memory_space<vmem>> -> memref<50xi32, #tpu.memory_space<vmem>>
    %dma_start3A_72 = arith.constant 0 : i32
    %dma_start3A_73 = arith.constant 0 : i32
    %dma_start3A_74 = tpu.memref_slice %arg2[%dma_start3A_72, %dma_start3A_73] : memref<100000x128xf32, #tpu.memory_space<hbm>> -> memref<100000x128xf32, #tpu.memory_space<hbm>>
    %dma_start3A_75 = tpu.memref_slice %arg7[%dma_start3A_64] : memref<8x!tpu.dma_semaphore, #tpu.memory_space<semaphore_mem>> -> memref<1x!tpu.dma_semaphore, #tpu.memory_space<semaphore_mem>>
    %dma_start3A_76 = tpu.memref_squeeze %dma_start3A_75 : memref<1x!tpu.dma_semaphore, #tpu.memory_space<semaphore_mem>> -> memref<!tpu.dma_semaphore, #tpu.memory_space<semaphore_mem>>
    tpu.enqueue_indirect_dma source(%dma_start3A_74 : memref<100000x128xf32, #tpu.memory_space<hbm>>) target(%dma_start3A_68 : memref<50x128xf32, #tpu.memory_space<vmem>>) offsets(%dma_start3A_71 : memref<50xi32, #tpu.memory_space<vmem>>) semaphore(%dma_start3A_76 : memref<!tpu.dma_semaphore, #tpu.memory_space<semaphore_mem>>)
    %dma_start3A_77 = arith.constant 5 : i32
    %dma_start3A_78 = arith.constant 5 : i32
    %dma_start3A_79 = arith.constant 5 : i32
    %dma_start3A_80 = arith.constant 0 : i32
    %dma_start3A_81 = arith.constant 0 : i32
    %dma_start3A_82 = tpu.memref_slice %arg6[%dma_start3A_78, %dma_start3A_80, %dma_start3A_81] : memref<8x50x128xf32, #tpu.memory_space<vmem>> -> memref<1x50x128xf32, #tpu.memory_space<vmem>>
    %dma_start3A_83 = tpu.memref_squeeze %dma_start3A_82 : memref<1x50x128xf32, #tpu.memory_space<vmem>> -> memref<50x128xf32, #tpu.memory_space<vmem>>
    %dma_start3A_84 = arith.constant 0 : i32
    %dma_start3A_85 = tpu.memref_slice %arg5[%dma_start3A_77, %dma_start3A_84] : memref<128x50xi32, #tpu.memory_space<vmem>> -> memref<1x50xi32, #tpu.memory_space<vmem>>
    %dma_start3A_86 = tpu.memref_squeeze %dma_start3A_85 : memref<1x50xi32, #tpu.memory_space<vmem>> -> memref<50xi32, #tpu.memory_space<vmem>>
    %dma_start3A_87 = arith.constant 0 : i32
    %dma_start3A_88 = arith.constant 0 : i32
    %dma_start3A_89 = tpu.memref_slice %arg2[%dma_start3A_87, %dma_start3A_88] : memref<100000x128xf32, #tpu.memory_space<hbm>> -> memref<100000x128xf32, #tpu.memory_space<hbm>>
    %dma_start3A_90 = tpu.memref_slice %arg7[%dma_start3A_79] : memref<8x!tpu.dma_semaphore, #tpu.memory_space<semaphore_mem>> -> memref<1x!tpu.dma_semaphore, #tpu.memory_space<semaphore_mem>>
    %dma_start3A_91 = tpu.memref_squeeze %dma_start3A_90 : memref<1x!tpu.dma_semaphore, #tpu.memory_space<semaphore_mem>> -> memref<!tpu.dma_semaphore, #tpu.memory_space<semaphore_mem>>
    tpu.enqueue_indirect_dma source(%dma_start3A_89 : memref<100000x128xf32, #tpu.memory_space<hbm>>) target(%dma_start3A_83 : memref<50x128xf32, #tpu.memory_space<vmem>>) offsets(%dma_start3A_86 : memref<50xi32, #tpu.memory_space<vmem>>) semaphore(%dma_start3A_91 : memref<!tpu.dma_semaphore, #tpu.memory_space<semaphore_mem>>)
    %dma_start3A_92 = arith.constant 6 : i32
    %dma_start3A_93 = arith.constant 6 : i32
    %dma_start3A_94 = arith.constant 6 : i32
    %dma_start3A_95 = arith.constant 0 : i32
    %dma_start3A_96 = arith.constant 0 : i32
    %dma_start3A_97 = tpu.memref_slice %arg6[%dma_start3A_93, %dma_start3A_95, %dma_start3A_96] : memref<8x50x128xf32, #tpu.memory_space<vmem>> -> memref<1x50x128xf32, #tpu.memory_space<vmem>>
    %dma_start3A_98 = tpu.memref_squeeze %dma_start3A_97 : memref<1x50x128xf32, #tpu.memory_space<vmem>> -> memref<50x128xf32, #tpu.memory_space<vmem>>
    %dma_start3A_99 = arith.constant 0 : i32
    %dma_start3A_100 = tpu.memref_slice %arg5[%dma_start3A_92, %dma_start3A_99] : memref<128x50xi32, #tpu.memory_space<vmem>> -> memref<1x50xi32, #tpu.memory_space<vmem>>
    %dma_start3A_101 = tpu.memref_squeeze %dma_start3A_100 : memref<1x50xi32, #tpu.memory_space<vmem>> -> memref<50xi32, #tpu.memory_space<vmem>>
    %dma_start3A_102 = arith.constant 0 : i32
    %dma_start3A_103 = arith.constant 0 : i32
    %dma_start3A_104 = tpu.memref_slice %arg2[%dma_start3A_102, %dma_start3A_103] : memref<100000x128xf32, #tpu.memory_space<hbm>> -> memref<100000x128xf32, #tpu.memory_space<hbm>>
    %dma_start3A_105 = tpu.memref_slice %arg7[%dma_start3A_94] : memref<8x!tpu.dma_semaphore, #tpu.memory_space<semaphore_mem>> -> memref<1x!tpu.dma_semaphore, #tpu.memory_space<semaphore_mem>>
    %dma_start3A_106 = tpu.memref_squeeze %dma_start3A_105 : memref<1x!tpu.dma_semaphore, #tpu.memory_space<semaphore_mem>> -> memref<!tpu.dma_semaphore, #tpu.memory_space<semaphore_mem>>
    tpu.enqueue_indirect_dma source(%dma_start3A_104 : memref<100000x128xf32, #tpu.memory_space<hbm>>) target(%dma_start3A_98 : memref<50x128xf32, #tpu.memory_space<vmem>>) offsets(%dma_start3A_101 : memref<50xi32, #tpu.memory_space<vmem>>) semaphore(%dma_start3A_106 : memref<!tpu.dma_semaphore, #tpu.memory_space<semaphore_mem>>)
    %dma_start3A_107 = arith.constant 7 : i32
    %dma_start3A_108 = arith.constant 7 : i32
    %dma_start3A_109 = arith.constant 7 : i32
    %dma_start3A_110 = arith.constant 0 : i32
    %dma_start3A_111 = arith.constant 0 : i32
    %dma_start3A_112 = tpu.memref_slice %arg6[%dma_start3A_108, %dma_start3A_110, %dma_start3A_111] : memref<8x50x128xf32, #tpu.memory_space<vmem>> -> memref<1x50x128xf32, #tpu.memory_space<vmem>>
    %dma_start3A_113 = tpu.memref_squeeze %dma_start3A_112 : memref<1x50x128xf32, #tpu.memory_space<vmem>> -> memref<50x128xf32, #tpu.memory_space<vmem>>
    %dma_start3A_114 = arith.constant 0 : i32
    %dma_start3A_115 = tpu.memref_slice %arg5[%dma_start3A_107, %dma_start3A_114] : memref<128x50xi32, #tpu.memory_space<vmem>> -> memref<1x50xi32, #tpu.memory_space<vmem>>
    %dma_start3A_116 = tpu.memref_squeeze %dma_start3A_115 : memref<1x50xi32, #tpu.memory_space<vmem>> -> memref<50xi32, #tpu.memory_space<vmem>>
    %dma_start3A_117 = arith.constant 0 : i32
    %dma_start3A_118 = arith.constant 0 : i32
    %dma_start3A_119 = tpu.memref_slice %arg2[%dma_start3A_117, %dma_start3A_118] : memref<100000x128xf32, #tpu.memory_space<hbm>> -> memref<100000x128xf32, #tpu.memory_space<hbm>>
    %dma_start3A_120 = tpu.memref_slice %arg7[%dma_start3A_109] : memref<8x!tpu.dma_semaphore, #tpu.memory_space<semaphore_mem>> -> memref<1x!tpu.dma_semaphore, #tpu.memory_space<semaphore_mem>>
    %dma_start3A_121 = tpu.memref_squeeze %dma_start3A_120 : memref<1x!tpu.dma_semaphore, #tpu.memory_space<semaphore_mem>> -> memref<!tpu.dma_semaphore, #tpu.memory_space<semaphore_mem>>
    tpu.enqueue_indirect_dma source(%dma_start3A_119 : memref<100000x128xf32, #tpu.memory_space<hbm>>) target(%dma_start3A_113 : memref<50x128xf32, #tpu.memory_space<vmem>>) offsets(%dma_start3A_116 : memref<50xi32, #tpu.memory_space<vmem>>) semaphore(%dma_start3A_121 : memref<!tpu.dma_semaphore, #tpu.memory_space<semaphore_mem>>)
    %dma_wait3A = arith.constant 0 : i32
    %dma_wait3A_122 = arith.constant 0 : i32
    %dma_wait3A_123 = arith.constant 0 : i32
    %dma_wait3A_124 = arith.constant 0 : i32
    %dma_wait3A_125 = arith.constant 0 : i32
    %dma_wait3A_126 = tpu.memref_slice %arg6[%dma_wait3A_122, %dma_wait3A_124, %dma_wait3A_125] : memref<8x50x128xf32, #tpu.memory_space<vmem>> -> memref<1x50x128xf32, #tpu.memory_space<vmem>>
    %dma_wait3A_127 = tpu.memref_squeeze %dma_wait3A_126 : memref<1x50x128xf32, #tpu.memory_space<vmem>> -> memref<50x128xf32, #tpu.memory_space<vmem>>
    %dma_wait3A_128 = arith.constant 0 : i32
    %dma_wait3A_129 = tpu.memref_slice %arg5[%dma_wait3A, %dma_wait3A_128] : memref<128x50xi32, #tpu.memory_space<vmem>> -> memref<1x50xi32, #tpu.memory_space<vmem>>
    %dma_wait3A_130 = tpu.memref_squeeze %dma_wait3A_129 : memref<1x50xi32, #tpu.memory_space<vmem>> -> memref<50xi32, #tpu.memory_space<vmem>>
    %dma_wait3A_131 = arith.constant 0 : i32
    %dma_wait3A_132 = arith.constant 0 : i32
    %dma_wait3A_133 = tpu.memref_slice %arg2[%dma_wait3A_131, %dma_wait3A_132] : memref<100000x128xf32, #tpu.memory_space<hbm>> -> memref<100000x128xf32, #tpu.memory_space<hbm>>
    %dma_wait3A_134 = tpu.memref_slice %arg7[%dma_wait3A_123] : memref<8x!tpu.dma_semaphore, #tpu.memory_space<semaphore_mem>> -> memref<1x!tpu.dma_semaphore, #tpu.memory_space<semaphore_mem>>
    %dma_wait3A_135 = tpu.memref_squeeze %dma_wait3A_134 : memref<1x!tpu.dma_semaphore, #tpu.memory_space<semaphore_mem>> -> memref<!tpu.dma_semaphore, #tpu.memory_space<semaphore_mem>>
    tpu.wait_indirect_dma semaphore(%dma_wait3A_135 : memref<!tpu.dma_semaphore, #tpu.memory_space<semaphore_mem>>) src(%dma_wait3A_133 : memref<100000x128xf32, #tpu.memory_space<hbm>>) dst(%dma_wait3A_127 : memref<50x128xf32, #tpu.memory_space<vmem>>)
    %add3A_136 = arith.constant 0 : i32
    %add3A_137 = arith.addi %mul3A_2, %add3A_136 : i32
    %dma_start3A_138 = arith.constant 0 : i32
    %dma_start3A_139 = arith.constant 0 : i32
    %dma_start3A_140 = arith.constant 0 : i32
    %dma_start3A_141 = arith.constant 0 : i32
    %dma_start3A_142 = tpu.memref_slice %arg6[%dma_start3A_138, %dma_start3A_140, %dma_start3A_141] : memref<8x50x128xf32, #tpu.memory_space<vmem>> -> memref<1x50x128xf32, #tpu.memory_space<vmem>>
    %dma_start3A_143 = tpu.memref_squeeze %dma_start3A_142 : memref<1x50x128xf32, #tpu.memory_space<vmem>> -> memref<50x128xf32, #tpu.memory_space<vmem>>
    %dma_start3A_144 = arith.constant 0 : i32
    %dma_start3A_145 = arith.constant 0 : i32
    %dma_start3A_146 = tpu.memref_slice %arg4[%add3A_137, %dma_start3A_144, %dma_start3A_145] : memref<4096x50x128xf32, #tpu.memory_space<hbm>> -> memref<1x50x128xf32, #tpu.memory_space<hbm>>
    %dma_start3A_147 = tpu.memref_squeeze %dma_start3A_146 : memref<1x50x128xf32, #tpu.memory_space<hbm>> -> memref<50x128xf32, #tpu.memory_space<hbm>>
    %dma_start3A_148 = tpu.memref_slice %arg8[%dma_start3A_139] : memref<8x!tpu.dma_semaphore, #tpu.memory_space<semaphore_mem>> -> memref<1x!tpu.dma_semaphore, #tpu.memory_space<semaphore_mem>>
    %dma_start3A_149 = tpu.memref_squeeze %dma_start3A_148 : memref<1x!tpu.dma_semaphore, #tpu.memory_space<semaphore_mem>> -> memref<!tpu.dma_semaphore, #tpu.memory_space<semaphore_mem>>
    %dma_start3A_150 = arith.constant 0 : i32
    %dma_start3A_151 = arith.constant 0 : i32
    %dma_start3A_152 = tpu.memref_slice %arg4[%add3A_137, %dma_start3A_150, %dma_start3A_151] : memref<4096x50x128xf32, #tpu.memory_space<hbm>> -> memref<1x50x128xf32, #tpu.memory_space<hbm>>
    %dma_start3A_153 = tpu.memref_squeeze %dma_start3A_152 : memref<1x50x128xf32, #tpu.memory_space<hbm>> -> memref<50x128xf32, #tpu.memory_space<hbm>>
    %dma_start3A_154 = arith.constant 0 : i32
    %dma_start3A_155 = arith.constant 0 : i32
    %dma_start3A_156 = tpu.memref_slice %arg6[%dma_start3A_138, %dma_start3A_154, %dma_start3A_155] : memref<8x50x128xf32, #tpu.memory_space<vmem>> -> memref<1x50x128xf32, #tpu.memory_space<vmem>>
    %dma_start3A_157 = tpu.memref_squeeze %dma_start3A_156 : memref<1x50x128xf32, #tpu.memory_space<vmem>> -> memref<50x128xf32, #tpu.memory_space<vmem>>
    tpu.enqueue_dma source(%dma_start3A_157 : memref<50x128xf32, #tpu.memory_space<vmem>>) target(%dma_start3A_153 : memref<50x128xf32, #tpu.memory_space<hbm>>) target_semaphore(%dma_start3A_149 : memref<!tpu.dma_semaphore, #tpu.memory_space<semaphore_mem>>)
    %dma_wait3A_158 = arith.constant 1 : i32
    %dma_wait3A_159 = arith.constant 1 : i32
    %dma_wait3A_160 = arith.constant 1 : i32
    %dma_wait3A_161 = arith.constant 0 : i32
    %dma_wait3A_162 = arith.constant 0 : i32
    %dma_wait3A_163 = tpu.memref_slice %arg6[%dma_wait3A_159, %dma_wait3A_161, %dma_wait3A_162] : memref<8x50x128xf32, #tpu.memory_space<vmem>> -> memref<1x50x128xf32, #tpu.memory_space<vmem>>
    %dma_wait3A_164 = tpu.memref_squeeze %dma_wait3A_163 : memref<1x50x128xf32, #tpu.memory_space<vmem>> -> memref<50x128xf32, #tpu.memory_space<vmem>>
    %dma_wait3A_165 = arith.constant 0 : i32
    %dma_wait3A_166 = tpu.memref_slice %arg5[%dma_wait3A_158, %dma_wait3A_165] : memref<128x50xi32, #tpu.memory_space<vmem>> -> memref<1x50xi32, #tpu.memory_space<vmem>>
    %dma_wait3A_167 = tpu.memref_squeeze %dma_wait3A_166 : memref<1x50xi32, #tpu.memory_space<vmem>> -> memref<50xi32, #tpu.memory_space<vmem>>
    %dma_wait3A_168 = arith.constant 0 : i32
    %dma_wait3A_169 = arith.constant 0 : i32
    %dma_wait3A_170 = tpu.memref_slice %arg2[%dma_wait3A_168, %dma_wait3A_169] : memref<100000x128xf32, #tpu.memory_space<hbm>> -> memref<100000x128xf32, #tpu.memory_space<hbm>>
    %dma_wait3A_171 = tpu.memref_slice %arg7[%dma_wait3A_160] : memref<8x!tpu.dma_semaphore, #tpu.memory_space<semaphore_mem>> -> memref<1x!tpu.dma_semaphore, #tpu.memory_space<semaphore_mem>>
    %dma_wait3A_172 = tpu.memref_squeeze %dma_wait3A_171 : memref<1x!tpu.dma_semaphore, #tpu.memory_space<semaphore_mem>> -> memref<!tpu.dma_semaphore, #tpu.memory_space<semaphore_mem>>
    tpu.wait_indirect_dma semaphore(%dma_wait3A_172 : memref<!tpu.dma_semaphore, #tpu.memory_space<semaphore_mem>>) src(%dma_wait3A_170 : memref<100000x128xf32, #tpu.memory_space<hbm>>) dst(%dma_wait3A_164 : memref<50x128xf32, #tpu.memory_space<vmem>>)
    %add3A_173 = arith.constant 1 : i32
    %add3A_174 = arith.addi %mul3A_2, %add3A_173 : i32
    %dma_start3A_175 = arith.constant 1 : i32
    %dma_start3A_176 = arith.constant 1 : i32
    %dma_start3A_177 = arith.constant 0 : i32
    %dma_start3A_178 = arith.constant 0 : i32
    %dma_start3A_179 = tpu.memref_slice %arg6[%dma_start3A_175, %dma_start3A_177, %dma_start3A_178] : memref<8x50x128xf32, #tpu.memory_space<vmem>> -> memref<1x50x128xf32, #tpu.memory_space<vmem>>
    %dma_start3A_180 = tpu.memref_squeeze %dma_start3A_179 : memref<1x50x128xf32, #tpu.memory_space<vmem>> -> memref<50x128xf32, #tpu.memory_space<vmem>>
    %dma_start3A_181 = arith.constant 0 : i32
    %dma_start3A_182 = arith.constant 0 : i32
    %dma_start3A_183 = tpu.memref_slice %arg4[%add3A_174, %dma_start3A_181, %dma_start3A_182] : memref<4096x50x128xf32, #tpu.memory_space<hbm>> -> memref<1x50x128xf32, #tpu.memory_space<hbm>>
    %dma_start3A_184 = tpu.memref_squeeze %dma_start3A_183 : memref<1x50x128xf32, #tpu.memory_space<hbm>> -> memref<50x128xf32, #tpu.memory_space<hbm>>
    %dma_start3A_185 = tpu.memref_slice %arg8[%dma_start3A_176] : memref<8x!tpu.dma_semaphore, #tpu.memory_space<semaphore_mem>> -> memref<1x!tpu.dma_semaphore, #tpu.memory_space<semaphore_mem>>
    %dma_start3A_186 = tpu.memref_squeeze %dma_start3A_185 : memref<1x!tpu.dma_semaphore, #tpu.memory_space<semaphore_mem>> -> memref<!tpu.dma_semaphore, #tpu.memory_space<semaphore_mem>>
    %dma_start3A_187 = arith.constant 0 : i32
    %dma_start3A_188 = arith.constant 0 : i32
    %dma_start3A_189 = tpu.memref_slice %arg4[%add3A_174, %dma_start3A_187, %dma_start3A_188] : memref<4096x50x128xf32, #tpu.memory_space<hbm>> -> memref<1x50x128xf32, #tpu.memory_space<hbm>>
    %dma_start3A_190 = tpu.memref_squeeze %dma_start3A_189 : memref<1x50x128xf32, #tpu.memory_space<hbm>> -> memref<50x128xf32, #tpu.memory_space<hbm>>
    %dma_start3A_191 = arith.constant 0 : i32
    %dma_start3A_192 = arith.constant 0 : i32
    %dma_start3A_193 = tpu.memref_slice %arg6[%dma_start3A_175, %dma_start3A_191, %dma_start3A_192] : memref<8x50x128xf32, #tpu.memory_space<vmem>> -> memref<1x50x128xf32, #tpu.memory_space<vmem>>
    %dma_start3A_194 = tpu.memref_squeeze %dma_start3A_193 : memref<1x50x128xf32, #tpu.memory_space<vmem>> -> memref<50x128xf32, #tpu.memory_space<vmem>>
    tpu.enqueue_dma source(%dma_start3A_194 : memref<50x128xf32, #tpu.memory_space<vmem>>) target(%dma_start3A_190 : memref<50x128xf32, #tpu.memory_space<hbm>>) target_semaphore(%dma_start3A_186 : memref<!tpu.dma_semaphore, #tpu.memory_space<semaphore_mem>>)
    %dma_wait3A_195 = arith.constant 2 : i32
    %dma_wait3A_196 = arith.constant 2 : i32
    %dma_wait3A_197 = arith.constant 2 : i32
    %dma_wait3A_198 = arith.constant 0 : i32
    %dma_wait3A_199 = arith.constant 0 : i32
    %dma_wait3A_200 = tpu.memref_slice %arg6[%dma_wait3A_196, %dma_wait3A_198, %dma_wait3A_199] : memref<8x50x128xf32, #tpu.memory_space<vmem>> -> memref<1x50x128xf32, #tpu.memory_space<vmem>>
    %dma_wait3A_201 = tpu.memref_squeeze %dma_wait3A_200 : memref<1x50x128xf32, #tpu.memory_space<vmem>> -> memref<50x128xf32, #tpu.memory_space<vmem>>
    %dma_wait3A_202 = arith.constant 0 : i32
    %dma_wait3A_203 = tpu.memref_slice %arg5[%dma_wait3A_195, %dma_wait3A_202] : memref<128x50xi32, #tpu.memory_space<vmem>> -> memref<1x50xi32, #tpu.memory_space<vmem>>
    %dma_wait3A_204 = tpu.memref_squeeze %dma_wait3A_203 : memref<1x50xi32, #tpu.memory_space<vmem>> -> memref<50xi32, #tpu.memory_space<vmem>>
    %dma_wait3A_205 = arith.constant 0 : i32
    %dma_wait3A_206 = arith.constant 0 : i32
    %dma_wait3A_207 = tpu.memref_slice %arg2[%dma_wait3A_205, %dma_wait3A_206] : memref<100000x128xf32, #tpu.memory_space<hbm>> -> memref<100000x128xf32, #tpu.memory_space<hbm>>
    %dma_wait3A_208 = tpu.memref_slice %arg7[%dma_wait3A_197] : memref<8x!tpu.dma_semaphore, #tpu.memory_space<semaphore_mem>> -> memref<1x!tpu.dma_semaphore, #tpu.memory_space<semaphore_mem>>
    %dma_wait3A_209 = tpu.memref_squeeze %dma_wait3A_208 : memref<1x!tpu.dma_semaphore, #tpu.memory_space<semaphore_mem>> -> memref<!tpu.dma_semaphore, #tpu.memory_space<semaphore_mem>>
    tpu.wait_indirect_dma semaphore(%dma_wait3A_209 : memref<!tpu.dma_semaphore, #tpu.memory_space<semaphore_mem>>) src(%dma_wait3A_207 : memref<100000x128xf32, #tpu.memory_space<hbm>>) dst(%dma_wait3A_201 : memref<50x128xf32, #tpu.memory_space<vmem>>)
    %add3A_210 = arith.constant 2 : i32
    %add3A_211 = arith.addi %mul3A_2, %add3A_210 : i32
    %dma_start3A_212 = arith.constant 2 : i32
    %dma_start3A_213 = arith.constant 2 : i32
    %dma_start3A_214 = arith.constant 0 : i32
    %dma_start3A_215 = arith.constant 0 : i32
    %dma_start3A_216 = tpu.memref_slice %arg6[%dma_start3A_212, %dma_start3A_214, %dma_start3A_215] : memref<8x50x128xf32, #tpu.memory_space<vmem>> -> memref<1x50x128xf32, #tpu.memory_space<vmem>>
    %dma_start3A_217 = tpu.memref_squeeze %dma_start3A_216 : memref<1x50x128xf32, #tpu.memory_space<vmem>> -> memref<50x128xf32, #tpu.memory_space<vmem>>
    %dma_start3A_218 = arith.constant 0 : i32
    %dma_start3A_219 = arith.constant 0 : i32
    %dma_start3A_220 = tpu.memref_slice %arg4[%add3A_211, %dma_start3A_218, %dma_start3A_219] : memref<4096x50x128xf32, #tpu.memory_space<hbm>> -> memref<1x50x128xf32, #tpu.memory_space<hbm>>
    %dma_start3A_221 = tpu.memref_squeeze %dma_start3A_220 : memref<1x50x128xf32, #tpu.memory_space<hbm>> -> memref<50x128xf32, #tpu.memory_space<hbm>>
    %dma_start3A_222 = tpu.memref_slice %arg8[%dma_start3A_213] : memref<8x!tpu.dma_semaphore, #tpu.memory_space<semaphore_mem>> -> memref<1x!tpu.dma_semaphore, #tpu.memory_space<semaphore_mem>>
    %dma_start3A_223 = tpu.memref_squeeze %dma_start3A_222 : memref<1x!tpu.dma_semaphore, #tpu.memory_space<semaphore_mem>> -> memref<!tpu.dma_semaphore, #tpu.memory_space<semaphore_mem>>
    %dma_start3A_224 = arith.constant 0 : i32
    %dma_start3A_225 = arith.constant 0 : i32
    %dma_start3A_226 = tpu.memref_slice %arg4[%add3A_211, %dma_start3A_224, %dma_start3A_225] : memref<4096x50x128xf32, #tpu.memory_space<hbm>> -> memref<1x50x128xf32, #tpu.memory_space<hbm>>
    %dma_start3A_227 = tpu.memref_squeeze %dma_start3A_226 : memref<1x50x128xf32, #tpu.memory_space<hbm>> -> memref<50x128xf32, #tpu.memory_space<hbm>>
    %dma_start3A_228 = arith.constant 0 : i32
    %dma_start3A_229 = arith.constant 0 : i32
    %dma_start3A_230 = tpu.memref_slice %arg6[%dma_start3A_212, %dma_start3A_228, %dma_start3A_229] : memref<8x50x128xf32, #tpu.memory_space<vmem>> -> memref<1x50x128xf32, #tpu.memory_space<vmem>>
    %dma_start3A_231 = tpu.memref_squeeze %dma_start3A_230 : memref<1x50x128xf32, #tpu.memory_space<vmem>> -> memref<50x128xf32, #tpu.memory_space<vmem>>
    tpu.enqueue_dma source(%dma_start3A_231 : memref<50x128xf32, #tpu.memory_space<vmem>>) target(%dma_start3A_227 : memref<50x128xf32, #tpu.memory_space<hbm>>) target_semaphore(%dma_start3A_223 : memref<!tpu.dma_semaphore, #tpu.memory_space<semaphore_mem>>)
    %dma_wait3A_232 = arith.constant 3 : i32
    %dma_wait3A_233 = arith.constant 3 : i32
    %dma_wait3A_234 = arith.constant 3 : i32
    %dma_wait3A_235 = arith.constant 0 : i32
    %dma_wait3A_236 = arith.constant 0 : i32
    %dma_wait3A_237 = tpu.memref_slice %arg6[%dma_wait3A_233, %dma_wait3A_235, %dma_wait3A_236] : memref<8x50x128xf32, #tpu.memory_space<vmem>> -> memref<1x50x128xf32, #tpu.memory_space<vmem>>
    %dma_wait3A_238 = tpu.memref_squeeze %dma_wait3A_237 : memref<1x50x128xf32, #tpu.memory_space<vmem>> -> memref<50x128xf32, #tpu.memory_space<vmem>>
    %dma_wait3A_239 = arith.constant 0 : i32
    %dma_wait3A_240 = tpu.memref_slice %arg5[%dma_wait3A_232, %dma_wait3A_239] : memref<128x50xi32, #tpu.memory_space<vmem>> -> memref<1x50xi32, #tpu.memory_space<vmem>>
    %dma_wait3A_241 = tpu.memref_squeeze %dma_wait3A_240 : memref<1x50xi32, #tpu.memory_space<vmem>> -> memref<50xi32, #tpu.memory_space<vmem>>
    %dma_wait3A_242 = arith.constant 0 : i32
    %dma_wait3A_243 = arith.constant 0 : i32
    %dma_wait3A_244 = tpu.memref_slice %arg2[%dma_wait3A_242, %dma_wait3A_243] : memref<100000x128xf32, #tpu.memory_space<hbm>> -> memref<100000x128xf32, #tpu.memory_space<hbm>>
    %dma_wait3A_245 = tpu.memref_slice %arg7[%dma_wait3A_234] : memref<8x!tpu.dma_semaphore, #tpu.memory_space<semaphore_mem>> -> memref<1x!tpu.dma_semaphore, #tpu.memory_space<semaphore_mem>>
    %dma_wait3A_246 = tpu.memref_squeeze %dma_wait3A_245 : memref<1x!tpu.dma_semaphore, #tpu.memory_space<semaphore_mem>> -> memref<!tpu.dma_semaphore, #tpu.memory_space<semaphore_mem>>
    tpu.wait_indirect_dma semaphore(%dma_wait3A_246 : memref<!tpu.dma_semaphore, #tpu.memory_space<semaphore_mem>>) src(%dma_wait3A_244 : memref<100000x128xf32, #tpu.memory_space<hbm>>) dst(%dma_wait3A_238 : memref<50x128xf32, #tpu.memory_space<vmem>>)
    %add3A_247 = arith.constant 3 : i32
    %add3A_248 = arith.addi %mul3A_2, %add3A_247 : i32
    %dma_start3A_249 = arith.constant 3 : i32
    %dma_start3A_250 = arith.constant 3 : i32
    %dma_start3A_251 = arith.constant 0 : i32
    %dma_start3A_252 = arith.constant 0 : i32
    %dma_start3A_253 = tpu.memref_slice %arg6[%dma_start3A_249, %dma_start3A_251, %dma_start3A_252] : memref<8x50x128xf32, #tpu.memory_space<vmem>> -> memref<1x50x128xf32, #tpu.memory_space<vmem>>
    %dma_start3A_254 = tpu.memref_squeeze %dma_start3A_253 : memref<1x50x128xf32, #tpu.memory_space<vmem>> -> memref<50x128xf32, #tpu.memory_space<vmem>>
    %dma_start3A_255 = arith.constant 0 : i32
    %dma_start3A_256 = arith.constant 0 : i32
    %dma_start3A_257 = tpu.memref_slice %arg4[%add3A_248, %dma_start3A_255, %dma_start3A_256] : memref<4096x50x128xf32, #tpu.memory_space<hbm>> -> memref<1x50x128xf32, #tpu.memory_space<hbm>>
    %dma_start3A_258 = tpu.memref_squeeze %dma_start3A_257 : memref<1x50x128xf32, #tpu.memory_space<hbm>> -> memref<50x128xf32, #tpu.memory_space<hbm>>
    %dma_start3A_259 = tpu.memref_slice %arg8[%dma_start3A_250] : memref<8x!tpu.dma_semaphore, #tpu.memory_space<semaphore_mem>> -> memref<1x!tpu.dma_semaphore, #tpu.memory_space<semaphore_mem>>
    %dma_start3A_260 = tpu.memref_squeeze %dma_start3A_259 : memref<1x!tpu.dma_semaphore, #tpu.memory_space<semaphore_mem>> -> memref<!tpu.dma_semaphore, #tpu.memory_space<semaphore_mem>>
    %dma_start3A_261 = arith.constant 0 : i32
    %dma_start3A_262 = arith.constant 0 : i32
    %dma_start3A_263 = tpu.memref_slice %arg4[%add3A_248, %dma_start3A_261, %dma_start3A_262] : memref<4096x50x128xf32, #tpu.memory_space<hbm>> -> memref<1x50x128xf32, #tpu.memory_space<hbm>>
    %dma_start3A_264 = tpu.memref_squeeze %dma_start3A_263 : memref<1x50x128xf32, #tpu.memory_space<hbm>> -> memref<50x128xf32, #tpu.memory_space<hbm>>
    %dma_start3A_265 = arith.constant 0 : i32
    %dma_start3A_266 = arith.constant 0 : i32
    %dma_start3A_267 = tpu.memref_slice %arg6[%dma_start3A_249, %dma_start3A_265, %dma_start3A_266] : memref<8x50x128xf32, #tpu.memory_space<vmem>> -> memref<1x50x128xf32, #tpu.memory_space<vmem>>
    %dma_start3A_268 = tpu.memref_squeeze %dma_start3A_267 : memref<1x50x128xf32, #tpu.memory_space<vmem>> -> memref<50x128xf32, #tpu.memory_space<vmem>>
    tpu.enqueue_dma source(%dma_start3A_268 : memref<50x128xf32, #tpu.memory_space<vmem>>) target(%dma_start3A_264 : memref<50x128xf32, #tpu.memory_space<hbm>>) target_semaphore(%dma_start3A_260 : memref<!tpu.dma_semaphore, #tpu.memory_space<semaphore_mem>>)
    %dma_wait3A_269 = arith.constant 4 : i32
    %dma_wait3A_270 = arith.constant 4 : i32
    %dma_wait3A_271 = arith.constant 4 : i32
    %dma_wait3A_272 = arith.constant 0 : i32
    %dma_wait3A_273 = arith.constant 0 : i32
    %dma_wait3A_274 = tpu.memref_slice %arg6[%dma_wait3A_270, %dma_wait3A_272, %dma_wait3A_273] : memref<8x50x128xf32, #tpu.memory_space<vmem>> -> memref<1x50x128xf32, #tpu.memory_space<vmem>>
    %dma_wait3A_275 = tpu.memref_squeeze %dma_wait3A_274 : memref<1x50x128xf32, #tpu.memory_space<vmem>> -> memref<50x128xf32, #tpu.memory_space<vmem>>
    %dma_wait3A_276 = arith.constant 0 : i32
    %dma_wait3A_277 = tpu.memref_slice %arg5[%dma_wait3A_269, %dma_wait3A_276] : memref<128x50xi32, #tpu.memory_space<vmem>> -> memref<1x50xi32, #tpu.memory_space<vmem>>
    %dma_wait3A_278 = tpu.memref_squeeze %dma_wait3A_277 : memref<1x50xi32, #tpu.memory_space<vmem>> -> memref<50xi32, #tpu.memory_space<vmem>>
    %dma_wait3A_279 = arith.constant 0 : i32
    %dma_wait3A_280 = arith.constant 0 : i32
    %dma_wait3A_281 = tpu.memref_slice %arg2[%dma_wait3A_279, %dma_wait3A_280] : memref<100000x128xf32, #tpu.memory_space<hbm>> -> memref<100000x128xf32, #tpu.memory_space<hbm>>
    %dma_wait3A_282 = tpu.memref_slice %arg7[%dma_wait3A_271] : memref<8x!tpu.dma_semaphore, #tpu.memory_space<semaphore_mem>> -> memref<1x!tpu.dma_semaphore, #tpu.memory_space<semaphore_mem>>
    %dma_wait3A_283 = tpu.memref_squeeze %dma_wait3A_282 : memref<1x!tpu.dma_semaphore, #tpu.memory_space<semaphore_mem>> -> memref<!tpu.dma_semaphore, #tpu.memory_space<semaphore_mem>>
    tpu.wait_indirect_dma semaphore(%dma_wait3A_283 : memref<!tpu.dma_semaphore, #tpu.memory_space<semaphore_mem>>) src(%dma_wait3A_281 : memref<100000x128xf32, #tpu.memory_space<hbm>>) dst(%dma_wait3A_275 : memref<50x128xf32, #tpu.memory_space<vmem>>)
    %add3A_284 = arith.constant 4 : i32
    %add3A_285 = arith.addi %mul3A_2, %add3A_284 : i32
    %dma_start3A_286 = arith.constant 4 : i32
    %dma_start3A_287 = arith.constant 4 : i32
    %dma_start3A_288 = arith.constant 0 : i32
    %dma_start3A_289 = arith.constant 0 : i32
    %dma_start3A_290 = tpu.memref_slice %arg6[%dma_start3A_286, %dma_start3A_288, %dma_start3A_289] : memref<8x50x128xf32, #tpu.memory_space<vmem>> -> memref<1x50x128xf32, #tpu.memory_space<vmem>>
    %dma_start3A_291 = tpu.memref_squeeze %dma_start3A_290 : memref<1x50x128xf32, #tpu.memory_space<vmem>> -> memref<50x128xf32, #tpu.memory_space<vmem>>
    %dma_start3A_292 = arith.constant 0 : i32
    %dma_start3A_293 = arith.constant 0 : i32
    %dma_start3A_294 = tpu.memref_slice %arg4[%add3A_285, %dma_start3A_292, %dma_start3A_293] : memref<4096x50x128xf32, #tpu.memory_space<hbm>> -> memref<1x50x128xf32, #tpu.memory_space<hbm>>
    %dma_start3A_295 = tpu.memref_squeeze %dma_start3A_294 : memref<1x50x128xf32, #tpu.memory_space<hbm>> -> memref<50x128xf32, #tpu.memory_space<hbm>>
    %dma_start3A_296 = tpu.memref_slice %arg8[%dma_start3A_287] : memref<8x!tpu.dma_semaphore, #tpu.memory_space<semaphore_mem>> -> memref<1x!tpu.dma_semaphore, #tpu.memory_space<semaphore_mem>>
    %dma_start3A_297 = tpu.memref_squeeze %dma_start3A_296 : memref<1x!tpu.dma_semaphore, #tpu.memory_space<semaphore_mem>> -> memref<!tpu.dma_semaphore, #tpu.memory_space<semaphore_mem>>
    %dma_start3A_298 = arith.constant 0 : i32
    %dma_start3A_299 = arith.constant 0 : i32
    %dma_start3A_300 = tpu.memref_slice %arg4[%add3A_285, %dma_start3A_298, %dma_start3A_299] : memref<4096x50x128xf32, #tpu.memory_space<hbm>> -> memref<1x50x128xf32, #tpu.memory_space<hbm>>
    %dma_start3A_301 = tpu.memref_squeeze %dma_start3A_300 : memref<1x50x128xf32, #tpu.memory_space<hbm>> -> memref<50x128xf32, #tpu.memory_space<hbm>>
    %dma_start3A_302 = arith.constant 0 : i32
    %dma_start3A_303 = arith.constant 0 : i32
    %dma_start3A_304 = tpu.memref_slice %arg6[%dma_start3A_286, %dma_start3A_302, %dma_start3A_303] : memref<8x50x128xf32, #tpu.memory_space<vmem>> -> memref<1x50x128xf32, #tpu.memory_space<vmem>>
    %dma_start3A_305 = tpu.memref_squeeze %dma_start3A_304 : memref<1x50x128xf32, #tpu.memory_space<vmem>> -> memref<50x128xf32, #tpu.memory_space<vmem>>
    tpu.enqueue_dma source(%dma_start3A_305 : memref<50x128xf32, #tpu.memory_space<vmem>>) target(%dma_start3A_301 : memref<50x128xf32, #tpu.memory_space<hbm>>) target_semaphore(%dma_start3A_297 : memref<!tpu.dma_semaphore, #tpu.memory_space<semaphore_mem>>)
    %dma_wait3A_306 = arith.constant 5 : i32
    %dma_wait3A_307 = arith.constant 5 : i32
    %dma_wait3A_308 = arith.constant 5 : i32
    %dma_wait3A_309 = arith.constant 0 : i32
    %dma_wait3A_310 = arith.constant 0 : i32
    %dma_wait3A_311 = tpu.memref_slice %arg6[%dma_wait3A_307, %dma_wait3A_309, %dma_wait3A_310] : memref<8x50x128xf32, #tpu.memory_space<vmem>> -> memref<1x50x128xf32, #tpu.memory_space<vmem>>
    %dma_wait3A_312 = tpu.memref_squeeze %dma_wait3A_311 : memref<1x50x128xf32, #tpu.memory_space<vmem>> -> memref<50x128xf32, #tpu.memory_space<vmem>>
    %dma_wait3A_313 = arith.constant 0 : i32
    %dma_wait3A_314 = tpu.memref_slice %arg5[%dma_wait3A_306, %dma_wait3A_313] : memref<128x50xi32, #tpu.memory_space<vmem>> -> memref<1x50xi32, #tpu.memory_space<vmem>>
    %dma_wait3A_315 = tpu.memref_squeeze %dma_wait3A_314 : memref<1x50xi32, #tpu.memory_space<vmem>> -> memref<50xi32, #tpu.memory_space<vmem>>
    %dma_wait3A_316 = arith.constant 0 : i32
    %dma_wait3A_317 = arith.constant 0 : i32
    %dma_wait3A_318 = tpu.memref_slice %arg2[%dma_wait3A_316, %dma_wait3A_317] : memref<100000x128xf32, #tpu.memory_space<hbm>> -> memref<100000x128xf32, #tpu.memory_space<hbm>>
    %dma_wait3A_319 = tpu.memref_slice %arg7[%dma_wait3A_308] : memref<8x!tpu.dma_semaphore, #tpu.memory_space<semaphore_mem>> -> memref<1x!tpu.dma_semaphore, #tpu.memory_space<semaphore_mem>>
    %dma_wait3A_320 = tpu.memref_squeeze %dma_wait3A_319 : memref<1x!tpu.dma_semaphore, #tpu.memory_space<semaphore_mem>> -> memref<!tpu.dma_semaphore, #tpu.memory_space<semaphore_mem>>
    tpu.wait_indirect_dma semaphore(%dma_wait3A_320 : memref<!tpu.dma_semaphore, #tpu.memory_space<semaphore_mem>>) src(%dma_wait3A_318 : memref<100000x128xf32, #tpu.memory_space<hbm>>) dst(%dma_wait3A_312 : memref<50x128xf32, #tpu.memory_space<vmem>>)
    %add3A_321 = arith.constant 5 : i32
    %add3A_322 = arith.addi %mul3A_2, %add3A_321 : i32
    %dma_start3A_323 = arith.constant 5 : i32
    %dma_start3A_324 = arith.constant 5 : i32
    %dma_start3A_325 = arith.constant 0 : i32
    %dma_start3A_326 = arith.constant 0 : i32
    %dma_start3A_327 = tpu.memref_slice %arg6[%dma_start3A_323, %dma_start3A_325, %dma_start3A_326] : memref<8x50x128xf32, #tpu.memory_space<vmem>> -> memref<1x50x128xf32, #tpu.memory_space<vmem>>
    %dma_start3A_328 = tpu.memref_squeeze %dma_start3A_327 : memref<1x50x128xf32, #tpu.memory_space<vmem>> -> memref<50x128xf32, #tpu.memory_space<vmem>>
    %dma_start3A_329 = arith.constant 0 : i32
    %dma_start3A_330 = arith.constant 0 : i32
    %dma_start3A_331 = tpu.memref_slice %arg4[%add3A_322, %dma_start3A_329, %dma_start3A_330] : memref<4096x50x128xf32, #tpu.memory_space<hbm>> -> memref<1x50x128xf32, #tpu.memory_space<hbm>>
    %dma_start3A_332 = tpu.memref_squeeze %dma_start3A_331 : memref<1x50x128xf32, #tpu.memory_space<hbm>> -> memref<50x128xf32, #tpu.memory_space<hbm>>
    %dma_start3A_333 = tpu.memref_slice %arg8[%dma_start3A_324] : memref<8x!tpu.dma_semaphore, #tpu.memory_space<semaphore_mem>> -> memref<1x!tpu.dma_semaphore, #tpu.memory_space<semaphore_mem>>
    %dma_start3A_334 = tpu.memref_squeeze %dma_start3A_333 : memref<1x!tpu.dma_semaphore, #tpu.memory_space<semaphore_mem>> -> memref<!tpu.dma_semaphore, #tpu.memory_space<semaphore_mem>>
    %dma_start3A_335 = arith.constant 0 : i32
    %dma_start3A_336 = arith.constant 0 : i32
    %dma_start3A_337 = tpu.memref_slice %arg4[%add3A_322, %dma_start3A_335, %dma_start3A_336] : memref<4096x50x128xf32, #tpu.memory_space<hbm>> -> memref<1x50x128xf32, #tpu.memory_space<hbm>>
    %dma_start3A_338 = tpu.memref_squeeze %dma_start3A_337 : memref<1x50x128xf32, #tpu.memory_space<hbm>> -> memref<50x128xf32, #tpu.memory_space<hbm>>
    %dma_start3A_339 = arith.constant 0 : i32
    %dma_start3A_340 = arith.constant 0 : i32
    %dma_start3A_341 = tpu.memref_slice %arg6[%dma_start3A_323, %dma_start3A_339, %dma_start3A_340] : memref<8x50x128xf32, #tpu.memory_space<vmem>> -> memref<1x50x128xf32, #tpu.memory_space<vmem>>
    %dma_start3A_342 = tpu.memref_squeeze %dma_start3A_341 : memref<1x50x128xf32, #tpu.memory_space<vmem>> -> memref<50x128xf32, #tpu.memory_space<vmem>>
    tpu.enqueue_dma source(%dma_start3A_342 : memref<50x128xf32, #tpu.memory_space<vmem>>) target(%dma_start3A_338 : memref<50x128xf32, #tpu.memory_space<hbm>>) target_semaphore(%dma_start3A_334 : memref<!tpu.dma_semaphore, #tpu.memory_space<semaphore_mem>>)
    %dma_wait3A_343 = arith.constant 6 : i32
    %dma_wait3A_344 = arith.constant 6 : i32
    %dma_wait3A_345 = arith.constant 6 : i32
    %dma_wait3A_346 = arith.constant 0 : i32
    %dma_wait3A_347 = arith.constant 0 : i32
    %dma_wait3A_348 = tpu.memref_slice %arg6[%dma_wait3A_344, %dma_wait3A_346, %dma_wait3A_347] : memref<8x50x128xf32, #tpu.memory_space<vmem>> -> memref<1x50x128xf32, #tpu.memory_space<vmem>>
    %dma_wait3A_349 = tpu.memref_squeeze %dma_wait3A_348 : memref<1x50x128xf32, #tpu.memory_space<vmem>> -> memref<50x128xf32, #tpu.memory_space<vmem>>
    %dma_wait3A_350 = arith.constant 0 : i32
    %dma_wait3A_351 = tpu.memref_slice %arg5[%dma_wait3A_343, %dma_wait3A_350] : memref<128x50xi32, #tpu.memory_space<vmem>> -> memref<1x50xi32, #tpu.memory_space<vmem>>
    %dma_wait3A_352 = tpu.memref_squeeze %dma_wait3A_351 : memref<1x50xi32, #tpu.memory_space<vmem>> -> memref<50xi32, #tpu.memory_space<vmem>>
    %dma_wait3A_353 = arith.constant 0 : i32
    %dma_wait3A_354 = arith.constant 0 : i32
    %dma_wait3A_355 = tpu.memref_slice %arg2[%dma_wait3A_353, %dma_wait3A_354] : memref<100000x128xf32, #tpu.memory_space<hbm>> -> memref<100000x128xf32, #tpu.memory_space<hbm>>
    %dma_wait3A_356 = tpu.memref_slice %arg7[%dma_wait3A_345] : memref<8x!tpu.dma_semaphore, #tpu.memory_space<semaphore_mem>> -> memref<1x!tpu.dma_semaphore, #tpu.memory_space<semaphore_mem>>
    %dma_wait3A_357 = tpu.memref_squeeze %dma_wait3A_356 : memref<1x!tpu.dma_semaphore, #tpu.memory_space<semaphore_mem>> -> memref<!tpu.dma_semaphore, #tpu.memory_space<semaphore_mem>>
    tpu.wait_indirect_dma semaphore(%dma_wait3A_357 : memref<!tpu.dma_semaphore, #tpu.memory_space<semaphore_mem>>) src(%dma_wait3A_355 : memref<100000x128xf32, #tpu.memory_space<hbm>>) dst(%dma_wait3A_349 : memref<50x128xf32, #tpu.memory_space<vmem>>)
    %add3A_358 = arith.constant 6 : i32
    %add3A_359 = arith.addi %mul3A_2, %add3A_358 : i32
    %dma_start3A_360 = arith.constant 6 : i32
    %dma_start3A_361 = arith.constant 6 : i32
    %dma_start3A_362 = arith.constant 0 : i32
    %dma_start3A_363 = arith.constant 0 : i32
    %dma_start3A_364 = tpu.memref_slice %arg6[%dma_start3A_360, %dma_start3A_362, %dma_start3A_363] : memref<8x50x128xf32, #tpu.memory_space<vmem>> -> memref<1x50x128xf32, #tpu.memory_space<vmem>>
    %dma_start3A_365 = tpu.memref_squeeze %dma_start3A_364 : memref<1x50x128xf32, #tpu.memory_space<vmem>> -> memref<50x128xf32, #tpu.memory_space<vmem>>
    %dma_start3A_366 = arith.constant 0 : i32
    %dma_start3A_367 = arith.constant 0 : i32
    %dma_start3A_368 = tpu.memref_slice %arg4[%add3A_359, %dma_start3A_366, %dma_start3A_367] : memref<4096x50x128xf32, #tpu.memory_space<hbm>> -> memref<1x50x128xf32, #tpu.memory_space<hbm>>
    %dma_start3A_369 = tpu.memref_squeeze %dma_start3A_368 : memref<1x50x128xf32, #tpu.memory_space<hbm>> -> memref<50x128xf32, #tpu.memory_space<hbm>>
    %dma_start3A_370 = tpu.memref_slice %arg8[%dma_start3A_361] : memref<8x!tpu.dma_semaphore, #tpu.memory_space<semaphore_mem>> -> memref<1x!tpu.dma_semaphore, #tpu.memory_space<semaphore_mem>>
    %dma_start3A_371 = tpu.memref_squeeze %dma_start3A_370 : memref<1x!tpu.dma_semaphore, #tpu.memory_space<semaphore_mem>> -> memref<!tpu.dma_semaphore, #tpu.memory_space<semaphore_mem>>
    %dma_start3A_372 = arith.constant 0 : i32
    %dma_start3A_373 = arith.constant 0 : i32
    %dma_start3A_374 = tpu.memref_slice %arg4[%add3A_359, %dma_start3A_372, %dma_start3A_373] : memref<4096x50x128xf32, #tpu.memory_space<hbm>> -> memref<1x50x128xf32, #tpu.memory_space<hbm>>
    %dma_start3A_375 = tpu.memref_squeeze %dma_start3A_374 : memref<1x50x128xf32, #tpu.memory_space<hbm>> -> memref<50x128xf32, #tpu.memory_space<hbm>>
    %dma_start3A_376 = arith.constant 0 : i32
    %dma_start3A_377 = arith.constant 0 : i32
    %dma_start3A_378 = tpu.memref_slice %arg6[%dma_start3A_360, %dma_start3A_376, %dma_start3A_377] : memref<8x50x128xf32, #tpu.memory_space<vmem>> -> memref<1x50x128xf32, #tpu.memory_space<vmem>>
    %dma_start3A_379 = tpu.memref_squeeze %dma_start3A_378 : memref<1x50x128xf32, #tpu.memory_space<vmem>> -> memref<50x128xf32, #tpu.memory_space<vmem>>
    tpu.enqueue_dma source(%dma_start3A_379 : memref<50x128xf32, #tpu.memory_space<vmem>>) target(%dma_start3A_375 : memref<50x128xf32, #tpu.memory_space<hbm>>) target_semaphore(%dma_start3A_371 : memref<!tpu.dma_semaphore, #tpu.memory_space<semaphore_mem>>)
    %dma_wait3A_380 = arith.constant 7 : i32
    %dma_wait3A_381 = arith.constant 7 : i32
    %dma_wait3A_382 = arith.constant 7 : i32
    %dma_wait3A_383 = arith.constant 0 : i32
    %dma_wait3A_384 = arith.constant 0 : i32
    %dma_wait3A_385 = tpu.memref_slice %arg6[%dma_wait3A_381, %dma_wait3A_383, %dma_wait3A_384] : memref<8x50x128xf32, #tpu.memory_space<vmem>> -> memref<1x50x128xf32, #tpu.memory_space<vmem>>
    %dma_wait3A_386 = tpu.memref_squeeze %dma_wait3A_385 : memref<1x50x128xf32, #tpu.memory_space<vmem>> -> memref<50x128xf32, #tpu.memory_space<vmem>>
    %dma_wait3A_387 = arith.constant 0 : i32
    %dma_wait3A_388 = tpu.memref_slice %arg5[%dma_wait3A_380, %dma_wait3A_387] : memref<128x50xi32, #tpu.memory_space<vmem>> -> memref<1x50xi32, #tpu.memory_space<vmem>>
    %dma_wait3A_389 = tpu.memref_squeeze %dma_wait3A_388 : memref<1x50xi32, #tpu.memory_space<vmem>> -> memref<50xi32, #tpu.memory_space<vmem>>
    %dma_wait3A_390 = arith.constant 0 : i32
    %dma_wait3A_391 = arith.constant 0 : i32
    %dma_wait3A_392 = tpu.memref_slice %arg2[%dma_wait3A_390, %dma_wait3A_391] : memref<100000x128xf32, #tpu.memory_space<hbm>> -> memref<100000x128xf32, #tpu.memory_space<hbm>>
    %dma_wait3A_393 = tpu.memref_slice %arg7[%dma_wait3A_382] : memref<8x!tpu.dma_semaphore, #tpu.memory_space<semaphore_mem>> -> memref<1x!tpu.dma_semaphore, #tpu.memory_space<semaphore_mem>>
    %dma_wait3A_394 = tpu.memref_squeeze %dma_wait3A_393 : memref<1x!tpu.dma_semaphore, #tpu.memory_space<semaphore_mem>> -> memref<!tpu.dma_semaphore, #tpu.memory_space<semaphore_mem>>
    tpu.wait_indirect_dma semaphore(%dma_wait3A_394 : memref<!tpu.dma_semaphore, #tpu.memory_space<semaphore_mem>>) src(%dma_wait3A_392 : memref<100000x128xf32, #tpu.memory_space<hbm>>) dst(%dma_wait3A_386 : memref<50x128xf32, #tpu.memory_space<vmem>>)
    %add3A_395 = arith.constant 7 : i32
    %add3A_396 = arith.addi %mul3A_2, %add3A_395 : i32
    %dma_start3A_397 = arith.constant 7 : i32
    %dma_start3A_398 = arith.constant 7 : i32
    %dma_start3A_399 = arith.constant 0 : i32
    %dma_start3A_400 = arith.constant 0 : i32
    %dma_start3A_401 = tpu.memref_slice %arg6[%dma_start3A_397, %dma_start3A_399, %dma_start3A_400] : memref<8x50x128xf32, #tpu.memory_space<vmem>> -> memref<1x50x128xf32, #tpu.memory_space<vmem>>
    %dma_start3A_402 = tpu.memref_squeeze %dma_start3A_401 : memref<1x50x128xf32, #tpu.memory_space<vmem>> -> memref<50x128xf32, #tpu.memory_space<vmem>>
    %dma_start3A_403 = arith.constant 0 : i32
    %dma_start3A_404 = arith.constant 0 : i32
    %dma_start3A_405 = tpu.memref_slice %arg4[%add3A_396, %dma_start3A_403, %dma_start3A_404] : memref<4096x50x128xf32, #tpu.memory_space<hbm>> -> memref<1x50x128xf32, #tpu.memory_space<hbm>>
    %dma_start3A_406 = tpu.memref_squeeze %dma_start3A_405 : memref<1x50x128xf32, #tpu.memory_space<hbm>> -> memref<50x128xf32, #tpu.memory_space<hbm>>
    %dma_start3A_407 = tpu.memref_slice %arg8[%dma_start3A_398] : memref<8x!tpu.dma_semaphore, #tpu.memory_space<semaphore_mem>> -> memref<1x!tpu.dma_semaphore, #tpu.memory_space<semaphore_mem>>
    %dma_start3A_408 = tpu.memref_squeeze %dma_start3A_407 : memref<1x!tpu.dma_semaphore, #tpu.memory_space<semaphore_mem>> -> memref<!tpu.dma_semaphore, #tpu.memory_space<semaphore_mem>>
    %dma_start3A_409 = arith.constant 0 : i32
    %dma_start3A_410 = arith.constant 0 : i32
    %dma_start3A_411 = tpu.memref_slice %arg4[%add3A_396, %dma_start3A_409, %dma_start3A_410] : memref<4096x50x128xf32, #tpu.memory_space<hbm>> -> memref<1x50x128xf32, #tpu.memory_space<hbm>>
    %dma_start3A_412 = tpu.memref_squeeze %dma_start3A_411 : memref<1x50x128xf32, #tpu.memory_space<hbm>> -> memref<50x128xf32, #tpu.memory_space<hbm>>
    %dma_start3A_413 = arith.constant 0 : i32
    %dma_start3A_414 = arith.constant 0 : i32
    %dma_start3A_415 = tpu.memref_slice %arg6[%dma_start3A_397, %dma_start3A_413, %dma_start3A_414] : memref<8x50x128xf32, #tpu.memory_space<vmem>> -> memref<1x50x128xf32, #tpu.memory_space<vmem>>
    %dma_start3A_416 = tpu.memref_squeeze %dma_start3A_415 : memref<1x50x128xf32, #tpu.memory_space<vmem>> -> memref<50x128xf32, #tpu.memory_space<vmem>>
    tpu.enqueue_dma source(%dma_start3A_416 : memref<50x128xf32, #tpu.memory_space<vmem>>) target(%dma_start3A_412 : memref<50x128xf32, #tpu.memory_space<hbm>>) target_semaphore(%dma_start3A_408 : memref<!tpu.dma_semaphore, #tpu.memory_space<semaphore_mem>>)
    %scan3A = arith.constant 0 : i32
    %scan3A_417 = arith.constant 1 : i32
    %scan3A_418 = arith.constant 15 : i32
    %scan3A_419 = arith.addi %scan3A_417, %scan3A_418 : i32
    %scan3A_420 = arith.constant 1 : i32
    scf.for %scan3A_582 = %scan3A_417 to %scan3A_419 step %scan3A_420  : i32 {
      %dma_wait3A_583 = arith.constant 0 : i32
      %dma_wait3A_584 = arith.constant 0 : i32
      %dma_wait3A_585 = arith.constant 0 : i32
      %dma_wait3A_586 = arith.constant 0 : i32
      %dma_wait3A_587 = tpu.memref_slice %arg6[%dma_wait3A_583, %dma_wait3A_585, %dma_wait3A_586] : memref<8x50x128xf32, #tpu.memory_space<vmem>> -> memref<1x50x128xf32, #tpu.memory_space<vmem>>
      %dma_wait3A_588 = tpu.memref_squeeze %dma_wait3A_587 : memref<1x50x128xf32, #tpu.memory_space<vmem>> -> memref<50x128xf32, #tpu.memory_space<vmem>>
      %dma_wait3A_589 = arith.constant 0 : i32
      %dma_wait3A_590 = arith.constant 0 : i32
      %dma_wait3A_591 = tpu.memref_slice %arg4[%mul3A_2, %dma_wait3A_589, %dma_wait3A_590] : memref<4096x50x128xf32, #tpu.memory_space<hbm>> -> memref<1x50x128xf32, #tpu.memory_space<hbm>>
      %dma_wait3A_592 = tpu.memref_squeeze %dma_wait3A_591 : memref<1x50x128xf32, #tpu.memory_space<hbm>> -> memref<50x128xf32, #tpu.memory_space<hbm>>
      %dma_wait3A_593 = tpu.memref_slice %arg8[%dma_wait3A_584] : memref<8x!tpu.dma_semaphore, #tpu.memory_space<semaphore_mem>> -> memref<1x!tpu.dma_semaphore, #tpu.memory_space<semaphore_mem>>
      %dma_wait3A_594 = tpu.memref_squeeze %dma_wait3A_593 : memref<1x!tpu.dma_semaphore, #tpu.memory_space<semaphore_mem>> -> memref<!tpu.dma_semaphore, #tpu.memory_space<semaphore_mem>>
      %dma_wait3A_595 = arith.constant 0 : i32
      %dma_wait3A_596 = arith.constant 0 : i32
      %dma_wait3A_597 = tpu.memref_slice %arg4[%mul3A_2, %dma_wait3A_595, %dma_wait3A_596] : memref<4096x50x128xf32, #tpu.memory_space<hbm>> -> memref<1x50x128xf32, #tpu.memory_space<hbm>>
      %dma_wait3A_598 = tpu.memref_squeeze %dma_wait3A_597 : memref<1x50x128xf32, #tpu.memory_space<hbm>> -> memref<50x128xf32, #tpu.memory_space<hbm>>
      %dma_wait3A_599 = arith.constant 0 : i32
      %dma_wait3A_600 = arith.constant 0 : i32
      %dma_wait3A_601 = tpu.memref_slice %arg6[%dma_wait3A_583, %dma_wait3A_599, %dma_wait3A_600] : memref<8x50x128xf32, #tpu.memory_space<vmem>> -> memref<1x50x128xf32, #tpu.memory_space<vmem>>
      %dma_wait3A_602 = tpu.memref_squeeze %dma_wait3A_601 : memref<1x50x128xf32, #tpu.memory_space<vmem>> -> memref<50x128xf32, #tpu.memory_space<vmem>>
      tpu.wait_dma2 semaphore(%dma_wait3A_594 : memref<!tpu.dma_semaphore, #tpu.memory_space<semaphore_mem>>) src(%dma_wait3A_602 : memref<50x128xf32, #tpu.memory_space<vmem>>) dst(%dma_wait3A_598 : memref<50x128xf32, #tpu.memory_space<hbm>>)
      %mul3A_603 = arith.constant 8 : i32
      %mul3A_604 = arith.muli %scan3A_582, %mul3A_603 : i32
      %add3A_605 = arith.constant 0 : i32
      %add3A_606 = arith.addi %mul3A_604, %add3A_605 : i32
      %dma_start3A_607 = arith.constant 0 : i32
      %dma_start3A_608 = arith.constant 0 : i32
      %dma_start3A_609 = arith.constant 0 : i32
      %dma_start3A_610 = arith.constant 0 : i32
      %dma_start3A_611 = tpu.memref_slice %arg6[%dma_start3A_607, %dma_start3A_609, %dma_start3A_610] : memref<8x50x128xf32, #tpu.memory_space<vmem>> -> memref<1x50x128xf32, #tpu.memory_space<vmem>>
      %dma_start3A_612 = tpu.memref_squeeze %dma_start3A_611 : memref<1x50x128xf32, #tpu.memory_space<vmem>> -> memref<50x128xf32, #tpu.memory_space<vmem>>
      %dma_start3A_613 = arith.constant 0 : i32
      %dma_start3A_614 = tpu.memref_slice %arg5[%add3A_606, %dma_start3A_613] : memref<128x50xi32, #tpu.memory_space<vmem>> -> memref<1x50xi32, #tpu.memory_space<vmem>>
      %dma_start3A_615 = tpu.memref_squeeze %dma_start3A_614 : memref<1x50xi32, #tpu.memory_space<vmem>> -> memref<50xi32, #tpu.memory_space<vmem>>
      %dma_start3A_616 = arith.constant 0 : i32
      %dma_start3A_617 = arith.constant 0 : i32
      %dma_start3A_618 = tpu.memref_slice %arg2[%dma_start3A_616, %dma_start3A_617] : memref<100000x128xf32, #tpu.memory_space<hbm>> -> memref<100000x128xf32, #tpu.memory_space<hbm>>
      %dma_start3A_619 = tpu.memref_slice %arg7[%dma_start3A_608] : memref<8x!tpu.dma_semaphore, #tpu.memory_space<semaphore_mem>> -> memref<1x!tpu.dma_semaphore, #tpu.memory_space<semaphore_mem>>
      %dma_start3A_620 = tpu.memref_squeeze %dma_start3A_619 : memref<1x!tpu.dma_semaphore, #tpu.memory_space<semaphore_mem>> -> memref<!tpu.dma_semaphore, #tpu.memory_space<semaphore_mem>>
      tpu.enqueue_indirect_dma source(%dma_start3A_618 : memref<100000x128xf32, #tpu.memory_space<hbm>>) target(%dma_start3A_612 : memref<50x128xf32, #tpu.memory_space<vmem>>) offsets(%dma_start3A_615 : memref<50xi32, #tpu.memory_space<vmem>>) semaphore(%dma_start3A_620 : memref<!tpu.dma_semaphore, #tpu.memory_space<semaphore_mem>>)
      %dma_wait3A_621 = arith.constant 1 : i32
      %dma_wait3A_622 = arith.constant 1 : i32
      %dma_wait3A_623 = arith.constant 0 : i32
      %dma_wait3A_624 = arith.constant 0 : i32
      %dma_wait3A_625 = tpu.memref_slice %arg6[%dma_wait3A_621, %dma_wait3A_623, %dma_wait3A_624] : memref<8x50x128xf32, #tpu.memory_space<vmem>> -> memref<1x50x128xf32, #tpu.memory_space<vmem>>
      %dma_wait3A_626 = tpu.memref_squeeze %dma_wait3A_625 : memref<1x50x128xf32, #tpu.memory_space<vmem>> -> memref<50x128xf32, #tpu.memory_space<vmem>>
      %dma_wait3A_627 = arith.constant 0 : i32
      %dma_wait3A_628 = arith.constant 0 : i32
      %dma_wait3A_629 = tpu.memref_slice %arg4[%mul3A_2, %dma_wait3A_627, %dma_wait3A_628] : memref<4096x50x128xf32, #tpu.memory_space<hbm>> -> memref<1x50x128xf32, #tpu.memory_space<hbm>>
      %dma_wait3A_630 = tpu.memref_squeeze %dma_wait3A_629 : memref<1x50x128xf32, #tpu.memory_space<hbm>> -> memref<50x128xf32, #tpu.memory_space<hbm>>
      %dma_wait3A_631 = tpu.memref_slice %arg8[%dma_wait3A_622] : memref<8x!tpu.dma_semaphore, #tpu.memory_space<semaphore_mem>> -> memref<1x!tpu.dma_semaphore, #tpu.memory_space<semaphore_mem>>
      %dma_wait3A_632 = tpu.memref_squeeze %dma_wait3A_631 : memref<1x!tpu.dma_semaphore, #tpu.memory_space<semaphore_mem>> -> memref<!tpu.dma_semaphore, #tpu.memory_space<semaphore_mem>>
      %dma_wait3A_633 = arith.constant 0 : i32
      %dma_wait3A_634 = arith.constant 0 : i32
      %dma_wait3A_635 = tpu.memref_slice %arg4[%mul3A_2, %dma_wait3A_633, %dma_wait3A_634] : memref<4096x50x128xf32, #tpu.memory_space<hbm>> -> memref<1x50x128xf32, #tpu.memory_space<hbm>>
      %dma_wait3A_636 = tpu.memref_squeeze %dma_wait3A_635 : memref<1x50x128xf32, #tpu.memory_space<hbm>> -> memref<50x128xf32, #tpu.memory_space<hbm>>
      %dma_wait3A_637 = arith.constant 0 : i32
      %dma_wait3A_638 = arith.constant 0 : i32
      %dma_wait3A_639 = tpu.memref_slice %arg6[%dma_wait3A_621, %dma_wait3A_637, %dma_wait3A_638] : memref<8x50x128xf32, #tpu.memory_space<vmem>> -> memref<1x50x128xf32, #tpu.memory_space<vmem>>
      %dma_wait3A_640 = tpu.memref_squeeze %dma_wait3A_639 : memref<1x50x128xf32, #tpu.memory_space<vmem>> -> memref<50x128xf32, #tpu.memory_space<vmem>>
      tpu.wait_dma2 semaphore(%dma_wait3A_632 : memref<!tpu.dma_semaphore, #tpu.memory_space<semaphore_mem>>) src(%dma_wait3A_640 : memref<50x128xf32, #tpu.memory_space<vmem>>) dst(%dma_wait3A_636 : memref<50x128xf32, #tpu.memory_space<hbm>>)
      %mul3A_641 = arith.constant 8 : i32
      %mul3A_642 = arith.muli %scan3A_582, %mul3A_641 : i32
      %add3A_643 = arith.constant 1 : i32
      %add3A_644 = arith.addi %mul3A_642, %add3A_643 : i32
      %dma_start3A_645 = arith.constant 1 : i32
      %dma_start3A_646 = arith.constant 1 : i32
      %dma_start3A_647 = arith.constant 0 : i32
      %dma_start3A_648 = arith.constant 0 : i32
      %dma_start3A_649 = tpu.memref_slice %arg6[%dma_start3A_645, %dma_start3A_647, %dma_start3A_648] : memref<8x50x128xf32, #tpu.memory_space<vmem>> -> memref<1x50x128xf32, #tpu.memory_space<vmem>>
      %dma_start3A_650 = tpu.memref_squeeze %dma_start3A_649 : memref<1x50x128xf32, #tpu.memory_space<vmem>> -> memref<50x128xf32, #tpu.memory_space<vmem>>
      %dma_start3A_651 = arith.constant 0 : i32
      %dma_start3A_652 = tpu.memref_slice %arg5[%add3A_644, %dma_start3A_651] : memref<128x50xi32, #tpu.memory_space<vmem>> -> memref<1x50xi32, #tpu.memory_space<vmem>>
      %dma_start3A_653 = tpu.memref_squeeze %dma_start3A_652 : memref<1x50xi32, #tpu.memory_space<vmem>> -> memref<50xi32, #tpu.memory_space<vmem>>
      %dma_start3A_654 = arith.constant 0 : i32
      %dma_start3A_655 = arith.constant 0 : i32
      %dma_start3A_656 = tpu.memref_slice %arg2[%dma_start3A_654, %dma_start3A_655] : memref<100000x128xf32, #tpu.memory_space<hbm>> -> memref<100000x128xf32, #tpu.memory_space<hbm>>
      %dma_start3A_657 = tpu.memref_slice %arg7[%dma_start3A_646] : memref<8x!tpu.dma_semaphore, #tpu.memory_space<semaphore_mem>> -> memref<1x!tpu.dma_semaphore, #tpu.memory_space<semaphore_mem>>
      %dma_start3A_658 = tpu.memref_squeeze %dma_start3A_657 : memref<1x!tpu.dma_semaphore, #tpu.memory_space<semaphore_mem>> -> memref<!tpu.dma_semaphore, #tpu.memory_space<semaphore_mem>>
      tpu.enqueue_indirect_dma source(%dma_start3A_656 : memref<100000x128xf32, #tpu.memory_space<hbm>>) target(%dma_start3A_650 : memref<50x128xf32, #tpu.memory_space<vmem>>) offsets(%dma_start3A_653 : memref<50xi32, #tpu.memory_space<vmem>>) semaphore(%dma_start3A_658 : memref<!tpu.dma_semaphore, #tpu.memory_space<semaphore_mem>>)
      %dma_wait3A_659 = arith.constant 2 : i32
      %dma_wait3A_660 = arith.constant 2 : i32
      %dma_wait3A_661 = arith.constant 0 : i32
      %dma_wait3A_662 = arith.constant 0 : i32
      %dma_wait3A_663 = tpu.memref_slice %arg6[%dma_wait3A_659, %dma_wait3A_661, %dma_wait3A_662] : memref<8x50x128xf32, #tpu.memory_space<vmem>> -> memref<1x50x128xf32, #tpu.memory_space<vmem>>
      %dma_wait3A_664 = tpu.memref_squeeze %dma_wait3A_663 : memref<1x50x128xf32, #tpu.memory_space<vmem>> -> memref<50x128xf32, #tpu.memory_space<vmem>>
      %dma_wait3A_665 = arith.constant 0 : i32
      %dma_wait3A_666 = arith.constant 0 : i32
      %dma_wait3A_667 = tpu.memref_slice %arg4[%mul3A_2, %dma_wait3A_665, %dma_wait3A_666] : memref<4096x50x128xf32, #tpu.memory_space<hbm>> -> memref<1x50x128xf32, #tpu.memory_space<hbm>>
      %dma_wait3A_668 = tpu.memref_squeeze %dma_wait3A_667 : memref<1x50x128xf32, #tpu.memory_space<hbm>> -> memref<50x128xf32, #tpu.memory_space<hbm>>
      %dma_wait3A_669 = tpu.memref_slice %arg8[%dma_wait3A_660] : memref<8x!tpu.dma_semaphore, #tpu.memory_space<semaphore_mem>> -> memref<1x!tpu.dma_semaphore, #tpu.memory_space<semaphore_mem>>
      %dma_wait3A_670 = tpu.memref_squeeze %dma_wait3A_669 : memref<1x!tpu.dma_semaphore, #tpu.memory_space<semaphore_mem>> -> memref<!tpu.dma_semaphore, #tpu.memory_space<semaphore_mem>>
      %dma_wait3A_671 = arith.constant 0 : i32
      %dma_wait3A_672 = arith.constant 0 : i32
      %dma_wait3A_673 = tpu.memref_slice %arg4[%mul3A_2, %dma_wait3A_671, %dma_wait3A_672] : memref<4096x50x128xf32, #tpu.memory_space<hbm>> -> memref<1x50x128xf32, #tpu.memory_space<hbm>>
      %dma_wait3A_674 = tpu.memref_squeeze %dma_wait3A_673 : memref<1x50x128xf32, #tpu.memory_space<hbm>> -> memref<50x128xf32, #tpu.memory_space<hbm>>
      %dma_wait3A_675 = arith.constant 0 : i32
      %dma_wait3A_676 = arith.constant 0 : i32
      %dma_wait3A_677 = tpu.memref_slice %arg6[%dma_wait3A_659, %dma_wait3A_675, %dma_wait3A_676] : memref<8x50x128xf32, #tpu.memory_space<vmem>> -> memref<1x50x128xf32, #tpu.memory_space<vmem>>
      %dma_wait3A_678 = tpu.memref_squeeze %dma_wait3A_677 : memref<1x50x128xf32, #tpu.memory_space<vmem>> -> memref<50x128xf32, #tpu.memory_space<vmem>>
      tpu.wait_dma2 semaphore(%dma_wait3A_670 : memref<!tpu.dma_semaphore, #tpu.memory_space<semaphore_mem>>) src(%dma_wait3A_678 : memref<50x128xf32, #tpu.memory_space<vmem>>) dst(%dma_wait3A_674 : memref<50x128xf32, #tpu.memory_space<hbm>>)
      %mul3A_679 = arith.constant 8 : i32
      %mul3A_680 = arith.muli %scan3A_582, %mul3A_679 : i32
      %add3A_681 = arith.constant 2 : i32
      %add3A_682 = arith.addi %mul3A_680, %add3A_681 : i32
      %dma_start3A_683 = arith.constant 2 : i32
      %dma_start3A_684 = arith.constant 2 : i32
      %dma_start3A_685 = arith.constant 0 : i32
      %dma_start3A_686 = arith.constant 0 : i32
      %dma_start3A_687 = tpu.memref_slice %arg6[%dma_start3A_683, %dma_start3A_685, %dma_start3A_686] : memref<8x50x128xf32, #tpu.memory_space<vmem>> -> memref<1x50x128xf32, #tpu.memory_space<vmem>>
      %dma_start3A_688 = tpu.memref_squeeze %dma_start3A_687 : memref<1x50x128xf32, #tpu.memory_space<vmem>> -> memref<50x128xf32, #tpu.memory_space<vmem>>
      %dma_start3A_689 = arith.constant 0 : i32
      %dma_start3A_690 = tpu.memref_slice %arg5[%add3A_682, %dma_start3A_689] : memref<128x50xi32, #tpu.memory_space<vmem>> -> memref<1x50xi32, #tpu.memory_space<vmem>>
      %dma_start3A_691 = tpu.memref_squeeze %dma_start3A_690 : memref<1x50xi32, #tpu.memory_space<vmem>> -> memref<50xi32, #tpu.memory_space<vmem>>
      %dma_start3A_692 = arith.constant 0 : i32
      %dma_start3A_693 = arith.constant 0 : i32
      %dma_start3A_694 = tpu.memref_slice %arg2[%dma_start3A_692, %dma_start3A_693] : memref<100000x128xf32, #tpu.memory_space<hbm>> -> memref<100000x128xf32, #tpu.memory_space<hbm>>
      %dma_start3A_695 = tpu.memref_slice %arg7[%dma_start3A_684] : memref<8x!tpu.dma_semaphore, #tpu.memory_space<semaphore_mem>> -> memref<1x!tpu.dma_semaphore, #tpu.memory_space<semaphore_mem>>
      %dma_start3A_696 = tpu.memref_squeeze %dma_start3A_695 : memref<1x!tpu.dma_semaphore, #tpu.memory_space<semaphore_mem>> -> memref<!tpu.dma_semaphore, #tpu.memory_space<semaphore_mem>>
      tpu.enqueue_indirect_dma source(%dma_start3A_694 : memref<100000x128xf32, #tpu.memory_space<hbm>>) target(%dma_start3A_688 : memref<50x128xf32, #tpu.memory_space<vmem>>) offsets(%dma_start3A_691 : memref<50xi32, #tpu.memory_space<vmem>>) semaphore(%dma_start3A_696 : memref<!tpu.dma_semaphore, #tpu.memory_space<semaphore_mem>>)
      %dma_wait3A_697 = arith.constant 3 : i32
      %dma_wait3A_698 = arith.constant 3 : i32
      %dma_wait3A_699 = arith.constant 0 : i32
      %dma_wait3A_700 = arith.constant 0 : i32
      %dma_wait3A_701 = tpu.memref_slice %arg6[%dma_wait3A_697, %dma_wait3A_699, %dma_wait3A_700] : memref<8x50x128xf32, #tpu.memory_space<vmem>> -> memref<1x50x128xf32, #tpu.memory_space<vmem>>
      %dma_wait3A_702 = tpu.memref_squeeze %dma_wait3A_701 : memref<1x50x128xf32, #tpu.memory_space<vmem>> -> memref<50x128xf32, #tpu.memory_space<vmem>>
      %dma_wait3A_703 = arith.constant 0 : i32
      %dma_wait3A_704 = arith.constant 0 : i32
      %dma_wait3A_705 = tpu.memref_slice %arg4[%mul3A_2, %dma_wait3A_703, %dma_wait3A_704] : memref<4096x50x128xf32, #tpu.memory_space<hbm>> -> memref<1x50x128xf32, #tpu.memory_space<hbm>>
      %dma_wait3A_706 = tpu.memref_squeeze %dma_wait3A_705 : memref<1x50x128xf32, #tpu.memory_space<hbm>> -> memref<50x128xf32, #tpu.memory_space<hbm>>
      %dma_wait3A_707 = tpu.memref_slice %arg8[%dma_wait3A_698] : memref<8x!tpu.dma_semaphore, #tpu.memory_space<semaphore_mem>> -> memref<1x!tpu.dma_semaphore, #tpu.memory_space<semaphore_mem>>
      %dma_wait3A_708 = tpu.memref_squeeze %dma_wait3A_707 : memref<1x!tpu.dma_semaphore, #tpu.memory_space<semaphore_mem>> -> memref<!tpu.dma_semaphore, #tpu.memory_space<semaphore_mem>>
      %dma_wait3A_709 = arith.constant 0 : i32
      %dma_wait3A_710 = arith.constant 0 : i32
      %dma_wait3A_711 = tpu.memref_slice %arg4[%mul3A_2, %dma_wait3A_709, %dma_wait3A_710] : memref<4096x50x128xf32, #tpu.memory_space<hbm>> -> memref<1x50x128xf32, #tpu.memory_space<hbm>>
      %dma_wait3A_712 = tpu.memref_squeeze %dma_wait3A_711 : memref<1x50x128xf32, #tpu.memory_space<hbm>> -> memref<50x128xf32, #tpu.memory_space<hbm>>
      %dma_wait3A_713 = arith.constant 0 : i32
      %dma_wait3A_714 = arith.constant 0 : i32
      %dma_wait3A_715 = tpu.memref_slice %arg6[%dma_wait3A_697, %dma_wait3A_713, %dma_wait3A_714] : memref<8x50x128xf32, #tpu.memory_space<vmem>> -> memref<1x50x128xf32, #tpu.memory_space<vmem>>
      %dma_wait3A_716 = tpu.memref_squeeze %dma_wait3A_715 : memref<1x50x128xf32, #tpu.memory_space<vmem>> -> memref<50x128xf32, #tpu.memory_space<vmem>>
      tpu.wait_dma2 semaphore(%dma_wait3A_708 : memref<!tpu.dma_semaphore, #tpu.memory_space<semaphore_mem>>) src(%dma_wait3A_716 : memref<50x128xf32, #tpu.memory_space<vmem>>) dst(%dma_wait3A_712 : memref<50x128xf32, #tpu.memory_space<hbm>>)
      %mul3A_717 = arith.constant 8 : i32
      %mul3A_718 = arith.muli %scan3A_582, %mul3A_717 : i32
      %add3A_719 = arith.constant 3 : i32
      %add3A_720 = arith.addi %mul3A_718, %add3A_719 : i32
      %dma_start3A_721 = arith.constant 3 : i32
      %dma_start3A_722 = arith.constant 3 : i32
      %dma_start3A_723 = arith.constant 0 : i32
      %dma_start3A_724 = arith.constant 0 : i32
      %dma_start3A_725 = tpu.memref_slice %arg6[%dma_start3A_721, %dma_start3A_723, %dma_start3A_724] : memref<8x50x128xf32, #tpu.memory_space<vmem>> -> memref<1x50x128xf32, #tpu.memory_space<vmem>>
      %dma_start3A_726 = tpu.memref_squeeze %dma_start3A_725 : memref<1x50x128xf32, #tpu.memory_space<vmem>> -> memref<50x128xf32, #tpu.memory_space<vmem>>
      %dma_start3A_727 = arith.constant 0 : i32
      %dma_start3A_728 = tpu.memref_slice %arg5[%add3A_720, %dma_start3A_727] : memref<128x50xi32, #tpu.memory_space<vmem>> -> memref<1x50xi32, #tpu.memory_space<vmem>>
      %dma_start3A_729 = tpu.memref_squeeze %dma_start3A_728 : memref<1x50xi32, #tpu.memory_space<vmem>> -> memref<50xi32, #tpu.memory_space<vmem>>
      %dma_start3A_730 = arith.constant 0 : i32
      %dma_start3A_731 = arith.constant 0 : i32
      %dma_start3A_732 = tpu.memref_slice %arg2[%dma_start3A_730, %dma_start3A_731] : memref<100000x128xf32, #tpu.memory_space<hbm>> -> memref<100000x128xf32, #tpu.memory_space<hbm>>
      %dma_start3A_733 = tpu.memref_slice %arg7[%dma_start3A_722] : memref<8x!tpu.dma_semaphore, #tpu.memory_space<semaphore_mem>> -> memref<1x!tpu.dma_semaphore, #tpu.memory_space<semaphore_mem>>
      %dma_start3A_734 = tpu.memref_squeeze %dma_start3A_733 : memref<1x!tpu.dma_semaphore, #tpu.memory_space<semaphore_mem>> -> memref<!tpu.dma_semaphore, #tpu.memory_space<semaphore_mem>>
      tpu.enqueue_indirect_dma source(%dma_start3A_732 : memref<100000x128xf32, #tpu.memory_space<hbm>>) target(%dma_start3A_726 : memref<50x128xf32, #tpu.memory_space<vmem>>) offsets(%dma_start3A_729 : memref<50xi32, #tpu.memory_space<vmem>>) semaphore(%dma_start3A_734 : memref<!tpu.dma_semaphore, #tpu.memory_space<semaphore_mem>>)
      %dma_wait3A_735 = arith.constant 4 : i32
      %dma_wait3A_736 = arith.constant 4 : i32
      %dma_wait3A_737 = arith.constant 0 : i32
      %dma_wait3A_738 = arith.constant 0 : i32
      %dma_wait3A_739 = tpu.memref_slice %arg6[%dma_wait3A_735, %dma_wait3A_737, %dma_wait3A_738] : memref<8x50x128xf32, #tpu.memory_space<vmem>> -> memref<1x50x128xf32, #tpu.memory_space<vmem>>
      %dma_wait3A_740 = tpu.memref_squeeze %dma_wait3A_739 : memref<1x50x128xf32, #tpu.memory_space<vmem>> -> memref<50x128xf32, #tpu.memory_space<vmem>>
      %dma_wait3A_741 = arith.constant 0 : i32
      %dma_wait3A_742 = arith.constant 0 : i32
      %dma_wait3A_743 = tpu.memref_slice %arg4[%mul3A_2, %dma_wait3A_741, %dma_wait3A_742] : memref<4096x50x128xf32, #tpu.memory_space<hbm>> -> memref<1x50x128xf32, #tpu.memory_space<hbm>>
      %dma_wait3A_744 = tpu.memref_squeeze %dma_wait3A_743 : memref<1x50x128xf32, #tpu.memory_space<hbm>> -> memref<50x128xf32, #tpu.memory_space<hbm>>
      %dma_wait3A_745 = tpu.memref_slice %arg8[%dma_wait3A_736] : memref<8x!tpu.dma_semaphore, #tpu.memory_space<semaphore_mem>> -> memref<1x!tpu.dma_semaphore, #tpu.memory_space<semaphore_mem>>
      %dma_wait3A_746 = tpu.memref_squeeze %dma_wait3A_745 : memref<1x!tpu.dma_semaphore, #tpu.memory_space<semaphore_mem>> -> memref<!tpu.dma_semaphore, #tpu.memory_space<semaphore_mem>>
      %dma_wait3A_747 = arith.constant 0 : i32
      %dma_wait3A_748 = arith.constant 0 : i32
      %dma_wait3A_749 = tpu.memref_slice %arg4[%mul3A_2, %dma_wait3A_747, %dma_wait3A_748] : memref<4096x50x128xf32, #tpu.memory_space<hbm>> -> memref<1x50x128xf32, #tpu.memory_space<hbm>>
      %dma_wait3A_750 = tpu.memref_squeeze %dma_wait3A_749 : memref<1x50x128xf32, #tpu.memory_space<hbm>> -> memref<50x128xf32, #tpu.memory_space<hbm>>
      %dma_wait3A_751 = arith.constant 0 : i32
      %dma_wait3A_752 = arith.constant 0 : i32
      %dma_wait3A_753 = tpu.memref_slice %arg6[%dma_wait3A_735, %dma_wait3A_751, %dma_wait3A_752] : memref<8x50x128xf32, #tpu.memory_space<vmem>> -> memref<1x50x128xf32, #tpu.memory_space<vmem>>
      %dma_wait3A_754 = tpu.memref_squeeze %dma_wait3A_753 : memref<1x50x128xf32, #tpu.memory_space<vmem>> -> memref<50x128xf32, #tpu.memory_space<vmem>>
      tpu.wait_dma2 semaphore(%dma_wait3A_746 : memref<!tpu.dma_semaphore, #tpu.memory_space<semaphore_mem>>) src(%dma_wait3A_754 : memref<50x128xf32, #tpu.memory_space<vmem>>) dst(%dma_wait3A_750 : memref<50x128xf32, #tpu.memory_space<hbm>>)
      %mul3A_755 = arith.constant 8 : i32
      %mul3A_756 = arith.muli %scan3A_582, %mul3A_755 : i32
      %add3A_757 = arith.constant 4 : i32
      %add3A_758 = arith.addi %mul3A_756, %add3A_757 : i32
      %dma_start3A_759 = arith.constant 4 : i32
      %dma_start3A_760 = arith.constant 4 : i32
      %dma_start3A_761 = arith.constant 0 : i32
      %dma_start3A_762 = arith.constant 0 : i32
      %dma_start3A_763 = tpu.memref_slice %arg6[%dma_start3A_759, %dma_start3A_761, %dma_start3A_762] : memref<8x50x128xf32, #tpu.memory_space<vmem>> -> memref<1x50x128xf32, #tpu.memory_space<vmem>>
      %dma_start3A_764 = tpu.memref_squeeze %dma_start3A_763 : memref<1x50x128xf32, #tpu.memory_space<vmem>> -> memref<50x128xf32, #tpu.memory_space<vmem>>
      %dma_start3A_765 = arith.constant 0 : i32
      %dma_start3A_766 = tpu.memref_slice %arg5[%add3A_758, %dma_start3A_765] : memref<128x50xi32, #tpu.memory_space<vmem>> -> memref<1x50xi32, #tpu.memory_space<vmem>>
      %dma_start3A_767 = tpu.memref_squeeze %dma_start3A_766 : memref<1x50xi32, #tpu.memory_space<vmem>> -> memref<50xi32, #tpu.memory_space<vmem>>
      %dma_start3A_768 = arith.constant 0 : i32
      %dma_start3A_769 = arith.constant 0 : i32
      %dma_start3A_770 = tpu.memref_slice %arg2[%dma_start3A_768, %dma_start3A_769] : memref<100000x128xf32, #tpu.memory_space<hbm>> -> memref<100000x128xf32, #tpu.memory_space<hbm>>
      %dma_start3A_771 = tpu.memref_slice %arg7[%dma_start3A_760] : memref<8x!tpu.dma_semaphore, #tpu.memory_space<semaphore_mem>> -> memref<1x!tpu.dma_semaphore, #tpu.memory_space<semaphore_mem>>
      %dma_start3A_772 = tpu.memref_squeeze %dma_start3A_771 : memref<1x!tpu.dma_semaphore, #tpu.memory_space<semaphore_mem>> -> memref<!tpu.dma_semaphore, #tpu.memory_space<semaphore_mem>>
      tpu.enqueue_indirect_dma source(%dma_start3A_770 : memref<100000x128xf32, #tpu.memory_space<hbm>>) target(%dma_start3A_764 : memref<50x128xf32, #tpu.memory_space<vmem>>) offsets(%dma_start3A_767 : memref<50xi32, #tpu.memory_space<vmem>>) semaphore(%dma_start3A_772 : memref<!tpu.dma_semaphore, #tpu.memory_space<semaphore_mem>>)
      %dma_wait3A_773 = arith.constant 5 : i32
      %dma_wait3A_774 = arith.constant 5 : i32
      %dma_wait3A_775 = arith.constant 0 : i32
      %dma_wait3A_776 = arith.constant 0 : i32
      %dma_wait3A_777 = tpu.memref_slice %arg6[%dma_wait3A_773, %dma_wait3A_775, %dma_wait3A_776] : memref<8x50x128xf32, #tpu.memory_space<vmem>> -> memref<1x50x128xf32, #tpu.memory_space<vmem>>
      %dma_wait3A_778 = tpu.memref_squeeze %dma_wait3A_777 : memref<1x50x128xf32, #tpu.memory_space<vmem>> -> memref<50x128xf32, #tpu.memory_space<vmem>>
      %dma_wait3A_779 = arith.constant 0 : i32
      %dma_wait3A_780 = arith.constant 0 : i32
      %dma_wait3A_781 = tpu.memref_slice %arg4[%mul3A_2, %dma_wait3A_779, %dma_wait3A_780] : memref<4096x50x128xf32, #tpu.memory_space<hbm>> -> memref<1x50x128xf32, #tpu.memory_space<hbm>>
      %dma_wait3A_782 = tpu.memref_squeeze %dma_wait3A_781 : memref<1x50x128xf32, #tpu.memory_space<hbm>> -> memref<50x128xf32, #tpu.memory_space<hbm>>
      %dma_wait3A_783 = tpu.memref_slice %arg8[%dma_wait3A_774] : memref<8x!tpu.dma_semaphore, #tpu.memory_space<semaphore_mem>> -> memref<1x!tpu.dma_semaphore, #tpu.memory_space<semaphore_mem>>
      %dma_wait3A_784 = tpu.memref_squeeze %dma_wait3A_783 : memref<1x!tpu.dma_semaphore, #tpu.memory_space<semaphore_mem>> -> memref<!tpu.dma_semaphore, #tpu.memory_space<semaphore_mem>>
      %dma_wait3A_785 = arith.constant 0 : i32
      %dma_wait3A_786 = arith.constant 0 : i32
      %dma_wait3A_787 = tpu.memref_slice %arg4[%mul3A_2, %dma_wait3A_785, %dma_wait3A_786] : memref<4096x50x128xf32, #tpu.memory_space<hbm>> -> memref<1x50x128xf32, #tpu.memory_space<hbm>>
      %dma_wait3A_788 = tpu.memref_squeeze %dma_wait3A_787 : memref<1x50x128xf32, #tpu.memory_space<hbm>> -> memref<50x128xf32, #tpu.memory_space<hbm>>
      %dma_wait3A_789 = arith.constant 0 : i32
      %dma_wait3A_790 = arith.constant 0 : i32
      %dma_wait3A_791 = tpu.memref_slice %arg6[%dma_wait3A_773, %dma_wait3A_789, %dma_wait3A_790] : memref<8x50x128xf32, #tpu.memory_space<vmem>> -> memref<1x50x128xf32, #tpu.memory_space<vmem>>
      %dma_wait3A_792 = tpu.memref_squeeze %dma_wait3A_791 : memref<1x50x128xf32, #tpu.memory_space<vmem>> -> memref<50x128xf32, #tpu.memory_space<vmem>>
      tpu.wait_dma2 semaphore(%dma_wait3A_784 : memref<!tpu.dma_semaphore, #tpu.memory_space<semaphore_mem>>) src(%dma_wait3A_792 : memref<50x128xf32, #tpu.memory_space<vmem>>) dst(%dma_wait3A_788 : memref<50x128xf32, #tpu.memory_space<hbm>>)
      %mul3A_793 = arith.constant 8 : i32
      %mul3A_794 = arith.muli %scan3A_582, %mul3A_793 : i32
      %add3A_795 = arith.constant 5 : i32
      %add3A_796 = arith.addi %mul3A_794, %add3A_795 : i32
      %dma_start3A_797 = arith.constant 5 : i32
      %dma_start3A_798 = arith.constant 5 : i32
      %dma_start3A_799 = arith.constant 0 : i32
      %dma_start3A_800 = arith.constant 0 : i32
      %dma_start3A_801 = tpu.memref_slice %arg6[%dma_start3A_797, %dma_start3A_799, %dma_start3A_800] : memref<8x50x128xf32, #tpu.memory_space<vmem>> -> memref<1x50x128xf32, #tpu.memory_space<vmem>>
      %dma_start3A_802 = tpu.memref_squeeze %dma_start3A_801 : memref<1x50x128xf32, #tpu.memory_space<vmem>> -> memref<50x128xf32, #tpu.memory_space<vmem>>
      %dma_start3A_803 = arith.constant 0 : i32
      %dma_start3A_804 = tpu.memref_slice %arg5[%add3A_796, %dma_start3A_803] : memref<128x50xi32, #tpu.memory_space<vmem>> -> memref<1x50xi32, #tpu.memory_space<vmem>>
      %dma_start3A_805 = tpu.memref_squeeze %dma_start3A_804 : memref<1x50xi32, #tpu.memory_space<vmem>> -> memref<50xi32, #tpu.memory_space<vmem>>
      %dma_start3A_806 = arith.constant 0 : i32
      %dma_start3A_807 = arith.constant 0 : i32
      %dma_start3A_808 = tpu.memref_slice %arg2[%dma_start3A_806, %dma_start3A_807] : memref<100000x128xf32, #tpu.memory_space<hbm>> -> memref<100000x128xf32, #tpu.memory_space<hbm>>
      %dma_start3A_809 = tpu.memref_slice %arg7[%dma_start3A_798] : memref<8x!tpu.dma_semaphore, #tpu.memory_space<semaphore_mem>> -> memref<1x!tpu.dma_semaphore, #tpu.memory_space<semaphore_mem>>
      %dma_start3A_810 = tpu.memref_squeeze %dma_start3A_809 : memref<1x!tpu.dma_semaphore, #tpu.memory_space<semaphore_mem>> -> memref<!tpu.dma_semaphore, #tpu.memory_space<semaphore_mem>>
      tpu.enqueue_indirect_dma source(%dma_start3A_808 : memref<100000x128xf32, #tpu.memory_space<hbm>>) target(%dma_start3A_802 : memref<50x128xf32, #tpu.memory_space<vmem>>) offsets(%dma_start3A_805 : memref<50xi32, #tpu.memory_space<vmem>>) semaphore(%dma_start3A_810 : memref<!tpu.dma_semaphore, #tpu.memory_space<semaphore_mem>>)
      %dma_wait3A_811 = arith.constant 6 : i32
      %dma_wait3A_812 = arith.constant 6 : i32
      %dma_wait3A_813 = arith.constant 0 : i32
      %dma_wait3A_814 = arith.constant 0 : i32
      %dma_wait3A_815 = tpu.memref_slice %arg6[%dma_wait3A_811, %dma_wait3A_813, %dma_wait3A_814] : memref<8x50x128xf32, #tpu.memory_space<vmem>> -> memref<1x50x128xf32, #tpu.memory_space<vmem>>
      %dma_wait3A_816 = tpu.memref_squeeze %dma_wait3A_815 : memref<1x50x128xf32, #tpu.memory_space<vmem>> -> memref<50x128xf32, #tpu.memory_space<vmem>>
      %dma_wait3A_817 = arith.constant 0 : i32
      %dma_wait3A_818 = arith.constant 0 : i32
      %dma_wait3A_819 = tpu.memref_slice %arg4[%mul3A_2, %dma_wait3A_817, %dma_wait3A_818] : memref<4096x50x128xf32, #tpu.memory_space<hbm>> -> memref<1x50x128xf32, #tpu.memory_space<hbm>>
      %dma_wait3A_820 = tpu.memref_squeeze %dma_wait3A_819 : memref<1x50x128xf32, #tpu.memory_space<hbm>> -> memref<50x128xf32, #tpu.memory_space<hbm>>
      %dma_wait3A_821 = tpu.memref_slice %arg8[%dma_wait3A_812] : memref<8x!tpu.dma_semaphore, #tpu.memory_space<semaphore_mem>> -> memref<1x!tpu.dma_semaphore, #tpu.memory_space<semaphore_mem>>
      %dma_wait3A_822 = tpu.memref_squeeze %dma_wait3A_821 : memref<1x!tpu.dma_semaphore, #tpu.memory_space<semaphore_mem>> -> memref<!tpu.dma_semaphore, #tpu.memory_space<semaphore_mem>>
      %dma_wait3A_823 = arith.constant 0 : i32
      %dma_wait3A_824 = arith.constant 0 : i32
      %dma_wait3A_825 = tpu.memref_slice %arg4[%mul3A_2, %dma_wait3A_823, %dma_wait3A_824] : memref<4096x50x128xf32, #tpu.memory_space<hbm>> -> memref<1x50x128xf32, #tpu.memory_space<hbm>>
      %dma_wait3A_826 = tpu.memref_squeeze %dma_wait3A_825 : memref<1x50x128xf32, #tpu.memory_space<hbm>> -> memref<50x128xf32, #tpu.memory_space<hbm>>
      %dma_wait3A_827 = arith.constant 0 : i32
      %dma_wait3A_828 = arith.constant 0 : i32
      %dma_wait3A_829 = tpu.memref_slice %arg6[%dma_wait3A_811, %dma_wait3A_827, %dma_wait3A_828] : memref<8x50x128xf32, #tpu.memory_space<vmem>> -> memref<1x50x128xf32, #tpu.memory_space<vmem>>
      %dma_wait3A_830 = tpu.memref_squeeze %dma_wait3A_829 : memref<1x50x128xf32, #tpu.memory_space<vmem>> -> memref<50x128xf32, #tpu.memory_space<vmem>>
      tpu.wait_dma2 semaphore(%dma_wait3A_822 : memref<!tpu.dma_semaphore, #tpu.memory_space<semaphore_mem>>) src(%dma_wait3A_830 : memref<50x128xf32, #tpu.memory_space<vmem>>) dst(%dma_wait3A_826 : memref<50x128xf32, #tpu.memory_space<hbm>>)
      %mul3A_831 = arith.constant 8 : i32
      %mul3A_832 = arith.muli %scan3A_582, %mul3A_831 : i32
      %add3A_833 = arith.constant 6 : i32
      %add3A_834 = arith.addi %mul3A_832, %add3A_833 : i32
      %dma_start3A_835 = arith.constant 6 : i32
      %dma_start3A_836 = arith.constant 6 : i32
      %dma_start3A_837 = arith.constant 0 : i32
      %dma_start3A_838 = arith.constant 0 : i32
      %dma_start3A_839 = tpu.memref_slice %arg6[%dma_start3A_835, %dma_start3A_837, %dma_start3A_838] : memref<8x50x128xf32, #tpu.memory_space<vmem>> -> memref<1x50x128xf32, #tpu.memory_space<vmem>>
      %dma_start3A_840 = tpu.memref_squeeze %dma_start3A_839 : memref<1x50x128xf32, #tpu.memory_space<vmem>> -> memref<50x128xf32, #tpu.memory_space<vmem>>
      %dma_start3A_841 = arith.constant 0 : i32
      %dma_start3A_842 = tpu.memref_slice %arg5[%add3A_834, %dma_start3A_841] : memref<128x50xi32, #tpu.memory_space<vmem>> -> memref<1x50xi32, #tpu.memory_space<vmem>>
      %dma_start3A_843 = tpu.memref_squeeze %dma_start3A_842 : memref<1x50xi32, #tpu.memory_space<vmem>> -> memref<50xi32, #tpu.memory_space<vmem>>
      %dma_start3A_844 = arith.constant 0 : i32
      %dma_start3A_845 = arith.constant 0 : i32
      %dma_start3A_846 = tpu.memref_slice %arg2[%dma_start3A_844, %dma_start3A_845] : memref<100000x128xf32, #tpu.memory_space<hbm>> -> memref<100000x128xf32, #tpu.memory_space<hbm>>
      %dma_start3A_847 = tpu.memref_slice %arg7[%dma_start3A_836] : memref<8x!tpu.dma_semaphore, #tpu.memory_space<semaphore_mem>> -> memref<1x!tpu.dma_semaphore, #tpu.memory_space<semaphore_mem>>
      %dma_start3A_848 = tpu.memref_squeeze %dma_start3A_847 : memref<1x!tpu.dma_semaphore, #tpu.memory_space<semaphore_mem>> -> memref<!tpu.dma_semaphore, #tpu.memory_space<semaphore_mem>>
      tpu.enqueue_indirect_dma source(%dma_start3A_846 : memref<100000x128xf32, #tpu.memory_space<hbm>>) target(%dma_start3A_840 : memref<50x128xf32, #tpu.memory_space<vmem>>) offsets(%dma_start3A_843 : memref<50xi32, #tpu.memory_space<vmem>>) semaphore(%dma_start3A_848 : memref<!tpu.dma_semaphore, #tpu.memory_space<semaphore_mem>>)
      %dma_wait3A_849 = arith.constant 7 : i32
      %dma_wait3A_850 = arith.constant 7 : i32
      %dma_wait3A_851 = arith.constant 0 : i32
      %dma_wait3A_852 = arith.constant 0 : i32
      %dma_wait3A_853 = tpu.memref_slice %arg6[%dma_wait3A_849, %dma_wait3A_851, %dma_wait3A_852] : memref<8x50x128xf32, #tpu.memory_space<vmem>> -> memref<1x50x128xf32, #tpu.memory_space<vmem>>
      %dma_wait3A_854 = tpu.memref_squeeze %dma_wait3A_853 : memref<1x50x128xf32, #tpu.memory_space<vmem>> -> memref<50x128xf32, #tpu.memory_space<vmem>>
      %dma_wait3A_855 = arith.constant 0 : i32
      %dma_wait3A_856 = arith.constant 0 : i32
      %dma_wait3A_857 = tpu.memref_slice %arg4[%mul3A_2, %dma_wait3A_855, %dma_wait3A_856] : memref<4096x50x128xf32, #tpu.memory_space<hbm>> -> memref<1x50x128xf32, #tpu.memory_space<hbm>>
      %dma_wait3A_858 = tpu.memref_squeeze %dma_wait3A_857 : memref<1x50x128xf32, #tpu.memory_space<hbm>> -> memref<50x128xf32, #tpu.memory_space<hbm>>
      %dma_wait3A_859 = tpu.memref_slice %arg8[%dma_wait3A_850] : memref<8x!tpu.dma_semaphore, #tpu.memory_space<semaphore_mem>> -> memref<1x!tpu.dma_semaphore, #tpu.memory_space<semaphore_mem>>
      %dma_wait3A_860 = tpu.memref_squeeze %dma_wait3A_859 : memref<1x!tpu.dma_semaphore, #tpu.memory_space<semaphore_mem>> -> memref<!tpu.dma_semaphore, #tpu.memory_space<semaphore_mem>>
      %dma_wait3A_861 = arith.constant 0 : i32
      %dma_wait3A_862 = arith.constant 0 : i32
      %dma_wait3A_863 = tpu.memref_slice %arg4[%mul3A_2, %dma_wait3A_861, %dma_wait3A_862] : memref<4096x50x128xf32, #tpu.memory_space<hbm>> -> memref<1x50x128xf32, #tpu.memory_space<hbm>>
      %dma_wait3A_864 = tpu.memref_squeeze %dma_wait3A_863 : memref<1x50x128xf32, #tpu.memory_space<hbm>> -> memref<50x128xf32, #tpu.memory_space<hbm>>
      %dma_wait3A_865 = arith.constant 0 : i32
      %dma_wait3A_866 = arith.constant 0 : i32
      %dma_wait3A_867 = tpu.memref_slice %arg6[%dma_wait3A_849, %dma_wait3A_865, %dma_wait3A_866] : memref<8x50x128xf32, #tpu.memory_space<vmem>> -> memref<1x50x128xf32, #tpu.memory_space<vmem>>
      %dma_wait3A_868 = tpu.memref_squeeze %dma_wait3A_867 : memref<1x50x128xf32, #tpu.memory_space<vmem>> -> memref<50x128xf32, #tpu.memory_space<vmem>>
      tpu.wait_dma2 semaphore(%dma_wait3A_860 : memref<!tpu.dma_semaphore, #tpu.memory_space<semaphore_mem>>) src(%dma_wait3A_868 : memref<50x128xf32, #tpu.memory_space<vmem>>) dst(%dma_wait3A_864 : memref<50x128xf32, #tpu.memory_space<hbm>>)
      %mul3A_869 = arith.constant 8 : i32
      %mul3A_870 = arith.muli %scan3A_582, %mul3A_869 : i32
      %add3A_871 = arith.constant 7 : i32
      %add3A_872 = arith.addi %mul3A_870, %add3A_871 : i32
      %dma_start3A_873 = arith.constant 7 : i32
      %dma_start3A_874 = arith.constant 7 : i32
      %dma_start3A_875 = arith.constant 0 : i32
      %dma_start3A_876 = arith.constant 0 : i32
      %dma_start3A_877 = tpu.memref_slice %arg6[%dma_start3A_873, %dma_start3A_875, %dma_start3A_876] : memref<8x50x128xf32, #tpu.memory_space<vmem>> -> memref<1x50x128xf32, #tpu.memory_space<vmem>>
      %dma_start3A_878 = tpu.memref_squeeze %dma_start3A_877 : memref<1x50x128xf32, #tpu.memory_space<vmem>> -> memref<50x128xf32, #tpu.memory_space<vmem>>
      %dma_start3A_879 = arith.constant 0 : i32
      %dma_start3A_880 = tpu.memref_slice %arg5[%add3A_872, %dma_start3A_879] : memref<128x50xi32, #tpu.memory_space<vmem>> -> memref<1x50xi32, #tpu.memory_space<vmem>>
      %dma_start3A_881 = tpu.memref_squeeze %dma_start3A_880 : memref<1x50xi32, #tpu.memory_space<vmem>> -> memref<50xi32, #tpu.memory_space<vmem>>
      %dma_start3A_882 = arith.constant 0 : i32
      %dma_start3A_883 = arith.constant 0 : i32
      %dma_start3A_884 = tpu.memref_slice %arg2[%dma_start3A_882, %dma_start3A_883] : memref<100000x128xf32, #tpu.memory_space<hbm>> -> memref<100000x128xf32, #tpu.memory_space<hbm>>
      %dma_start3A_885 = tpu.memref_slice %arg7[%dma_start3A_874] : memref<8x!tpu.dma_semaphore, #tpu.memory_space<semaphore_mem>> -> memref<1x!tpu.dma_semaphore, #tpu.memory_space<semaphore_mem>>
      %dma_start3A_886 = tpu.memref_squeeze %dma_start3A_885 : memref<1x!tpu.dma_semaphore, #tpu.memory_space<semaphore_mem>> -> memref<!tpu.dma_semaphore, #tpu.memory_space<semaphore_mem>>
      tpu.enqueue_indirect_dma source(%dma_start3A_884 : memref<100000x128xf32, #tpu.memory_space<hbm>>) target(%dma_start3A_878 : memref<50x128xf32, #tpu.memory_space<vmem>>) offsets(%dma_start3A_881 : memref<50xi32, #tpu.memory_space<vmem>>) semaphore(%dma_start3A_886 : memref<!tpu.dma_semaphore, #tpu.memory_space<semaphore_mem>>)
      %dma_wait3A_887 = arith.constant 0 : i32
      %dma_wait3A_888 = arith.constant 0 : i32
      %dma_wait3A_889 = arith.constant 0 : i32
      %dma_wait3A_890 = arith.constant 0 : i32
      %dma_wait3A_891 = tpu.memref_slice %arg6[%dma_wait3A_887, %dma_wait3A_889, %dma_wait3A_890] : memref<8x50x128xf32, #tpu.memory_space<vmem>> -> memref<1x50x128xf32, #tpu.memory_space<vmem>>
      %dma_wait3A_892 = tpu.memref_squeeze %dma_wait3A_891 : memref<1x50x128xf32, #tpu.memory_space<vmem>> -> memref<50x128xf32, #tpu.memory_space<vmem>>
      %dma_wait3A_893 = arith.constant 0 : i32
      %dma_wait3A_894 = tpu.memref_slice %arg5[%add3A_606, %dma_wait3A_893] : memref<128x50xi32, #tpu.memory_space<vmem>> -> memref<1x50xi32, #tpu.memory_space<vmem>>
      %dma_wait3A_895 = tpu.memref_squeeze %dma_wait3A_894 : memref<1x50xi32, #tpu.memory_space<vmem>> -> memref<50xi32, #tpu.memory_space<vmem>>
      %dma_wait3A_896 = arith.constant 0 : i32
      %dma_wait3A_897 = arith.constant 0 : i32
      %dma_wait3A_898 = tpu.memref_slice %arg2[%dma_wait3A_896, %dma_wait3A_897] : memref<100000x128xf32, #tpu.memory_space<hbm>> -> memref<100000x128xf32, #tpu.memory_space<hbm>>
      %dma_wait3A_899 = tpu.memref_slice %arg7[%dma_wait3A_888] : memref<8x!tpu.dma_semaphore, #tpu.memory_space<semaphore_mem>> -> memref<1x!tpu.dma_semaphore, #tpu.memory_space<semaphore_mem>>
      %dma_wait3A_900 = tpu.memref_squeeze %dma_wait3A_899 : memref<1x!tpu.dma_semaphore, #tpu.memory_space<semaphore_mem>> -> memref<!tpu.dma_semaphore, #tpu.memory_space<semaphore_mem>>
      tpu.wait_indirect_dma semaphore(%dma_wait3A_900 : memref<!tpu.dma_semaphore, #tpu.memory_space<semaphore_mem>>) src(%dma_wait3A_898 : memref<100000x128xf32, #tpu.memory_space<hbm>>) dst(%dma_wait3A_892 : memref<50x128xf32, #tpu.memory_space<vmem>>)
      %mul3A_901 = arith.constant 8 : i32
      %mul3A_902 = arith.muli %scan3A_582, %mul3A_901 : i32
      %add3A_903 = arith.constant 0 : i32
      %add3A_904 = arith.addi %mul3A_902, %add3A_903 : i32
      %add3A_905 = arith.addi %mul3A_2, %add3A_904 : i32
      %dma_start3A_906 = arith.constant 0 : i32
      %dma_start3A_907 = arith.constant 0 : i32
      %dma_start3A_908 = arith.constant 0 : i32
      %dma_start3A_909 = arith.constant 0 : i32
      %dma_start3A_910 = tpu.memref_slice %arg6[%dma_start3A_906, %dma_start3A_908, %dma_start3A_909] : memref<8x50x128xf32, #tpu.memory_space<vmem>> -> memref<1x50x128xf32, #tpu.memory_space<vmem>>
      %dma_start3A_911 = tpu.memref_squeeze %dma_start3A_910 : memref<1x50x128xf32, #tpu.memory_space<vmem>> -> memref<50x128xf32, #tpu.memory_space<vmem>>
      %dma_start3A_912 = arith.constant 0 : i32
      %dma_start3A_913 = arith.constant 0 : i32
      %dma_start3A_914 = tpu.memref_slice %arg4[%add3A_905, %dma_start3A_912, %dma_start3A_913] : memref<4096x50x128xf32, #tpu.memory_space<hbm>> -> memref<1x50x128xf32, #tpu.memory_space<hbm>>
      %dma_start3A_915 = tpu.memref_squeeze %dma_start3A_914 : memref<1x50x128xf32, #tpu.memory_space<hbm>> -> memref<50x128xf32, #tpu.memory_space<hbm>>
      %dma_start3A_916 = tpu.memref_slice %arg8[%dma_start3A_907] : memref<8x!tpu.dma_semaphore, #tpu.memory_space<semaphore_mem>> -> memref<1x!tpu.dma_semaphore, #tpu.memory_space<semaphore_mem>>
      %dma_start3A_917 = tpu.memref_squeeze %dma_start3A_916 : memref<1x!tpu.dma_semaphore, #tpu.memory_space<semaphore_mem>> -> memref<!tpu.dma_semaphore, #tpu.memory_space<semaphore_mem>>
      %dma_start3A_918 = arith.constant 0 : i32
      %dma_start3A_919 = arith.constant 0 : i32
      %dma_start3A_920 = tpu.memref_slice %arg4[%add3A_905, %dma_start3A_918, %dma_start3A_919] : memref<4096x50x128xf32, #tpu.memory_space<hbm>> -> memref<1x50x128xf32, #tpu.memory_space<hbm>>
      %dma_start3A_921 = tpu.memref_squeeze %dma_start3A_920 : memref<1x50x128xf32, #tpu.memory_space<hbm>> -> memref<50x128xf32, #tpu.memory_space<hbm>>
      %dma_start3A_922 = arith.constant 0 : i32
      %dma_start3A_923 = arith.constant 0 : i32
      %dma_start3A_924 = tpu.memref_slice %arg6[%dma_start3A_906, %dma_start3A_922, %dma_start3A_923] : memref<8x50x128xf32, #tpu.memory_space<vmem>> -> memref<1x50x128xf32, #tpu.memory_space<vmem>>
      %dma_start3A_925 = tpu.memref_squeeze %dma_start3A_924 : memref<1x50x128xf32, #tpu.memory_space<vmem>> -> memref<50x128xf32, #tpu.memory_space<vmem>>
      tpu.enqueue_dma source(%dma_start3A_925 : memref<50x128xf32, #tpu.memory_space<vmem>>) target(%dma_start3A_921 : memref<50x128xf32, #tpu.memory_space<hbm>>) target_semaphore(%dma_start3A_917 : memref<!tpu.dma_semaphore, #tpu.memory_space<semaphore_mem>>)
      %dma_wait3A_926 = arith.constant 1 : i32
      %dma_wait3A_927 = arith.constant 1 : i32
      %dma_wait3A_928 = arith.constant 0 : i32
      %dma_wait3A_929 = arith.constant 0 : i32
      %dma_wait3A_930 = tpu.memref_slice %arg6[%dma_wait3A_926, %dma_wait3A_928, %dma_wait3A_929] : memref<8x50x128xf32, #tpu.memory_space<vmem>> -> memref<1x50x128xf32, #tpu.memory_space<vmem>>
      %dma_wait3A_931 = tpu.memref_squeeze %dma_wait3A_930 : memref<1x50x128xf32, #tpu.memory_space<vmem>> -> memref<50x128xf32, #tpu.memory_space<vmem>>
      %dma_wait3A_932 = arith.constant 0 : i32
      %dma_wait3A_933 = tpu.memref_slice %arg5[%add3A_644, %dma_wait3A_932] : memref<128x50xi32, #tpu.memory_space<vmem>> -> memref<1x50xi32, #tpu.memory_space<vmem>>
      %dma_wait3A_934 = tpu.memref_squeeze %dma_wait3A_933 : memref<1x50xi32, #tpu.memory_space<vmem>> -> memref<50xi32, #tpu.memory_space<vmem>>
      %dma_wait3A_935 = arith.constant 0 : i32
      %dma_wait3A_936 = arith.constant 0 : i32
      %dma_wait3A_937 = tpu.memref_slice %arg2[%dma_wait3A_935, %dma_wait3A_936] : memref<100000x128xf32, #tpu.memory_space<hbm>> -> memref<100000x128xf32, #tpu.memory_space<hbm>>
      %dma_wait3A_938 = tpu.memref_slice %arg7[%dma_wait3A_927] : memref<8x!tpu.dma_semaphore, #tpu.memory_space<semaphore_mem>> -> memref<1x!tpu.dma_semaphore, #tpu.memory_space<semaphore_mem>>
      %dma_wait3A_939 = tpu.memref_squeeze %dma_wait3A_938 : memref<1x!tpu.dma_semaphore, #tpu.memory_space<semaphore_mem>> -> memref<!tpu.dma_semaphore, #tpu.memory_space<semaphore_mem>>
      tpu.wait_indirect_dma semaphore(%dma_wait3A_939 : memref<!tpu.dma_semaphore, #tpu.memory_space<semaphore_mem>>) src(%dma_wait3A_937 : memref<100000x128xf32, #tpu.memory_space<hbm>>) dst(%dma_wait3A_931 : memref<50x128xf32, #tpu.memory_space<vmem>>)
      %mul3A_940 = arith.constant 8 : i32
      %mul3A_941 = arith.muli %scan3A_582, %mul3A_940 : i32
      %add3A_942 = arith.constant 1 : i32
      %add3A_943 = arith.addi %mul3A_941, %add3A_942 : i32
      %add3A_944 = arith.addi %mul3A_2, %add3A_943 : i32
      %dma_start3A_945 = arith.constant 1 : i32
      %dma_start3A_946 = arith.constant 1 : i32
      %dma_start3A_947 = arith.constant 0 : i32
      %dma_start3A_948 = arith.constant 0 : i32
      %dma_start3A_949 = tpu.memref_slice %arg6[%dma_start3A_945, %dma_start3A_947, %dma_start3A_948] : memref<8x50x128xf32, #tpu.memory_space<vmem>> -> memref<1x50x128xf32, #tpu.memory_space<vmem>>
      %dma_start3A_950 = tpu.memref_squeeze %dma_start3A_949 : memref<1x50x128xf32, #tpu.memory_space<vmem>> -> memref<50x128xf32, #tpu.memory_space<vmem>>
      %dma_start3A_951 = arith.constant 0 : i32
      %dma_start3A_952 = arith.constant 0 : i32
      %dma_start3A_953 = tpu.memref_slice %arg4[%add3A_944, %dma_start3A_951, %dma_start3A_952] : memref<4096x50x128xf32, #tpu.memory_space<hbm>> -> memref<1x50x128xf32, #tpu.memory_space<hbm>>
      %dma_start3A_954 = tpu.memref_squeeze %dma_start3A_953 : memref<1x50x128xf32, #tpu.memory_space<hbm>> -> memref<50x128xf32, #tpu.memory_space<hbm>>
      %dma_start3A_955 = tpu.memref_slice %arg8[%dma_start3A_946] : memref<8x!tpu.dma_semaphore, #tpu.memory_space<semaphore_mem>> -> memref<1x!tpu.dma_semaphore, #tpu.memory_space<semaphore_mem>>
      %dma_start3A_956 = tpu.memref_squeeze %dma_start3A_955 : memref<1x!tpu.dma_semaphore, #tpu.memory_space<semaphore_mem>> -> memref<!tpu.dma_semaphore, #tpu.memory_space<semaphore_mem>>
      %dma_start3A_957 = arith.constant 0 : i32
      %dma_start3A_958 = arith.constant 0 : i32
      %dma_start3A_959 = tpu.memref_slice %arg4[%add3A_944, %dma_start3A_957, %dma_start3A_958] : memref<4096x50x128xf32, #tpu.memory_space<hbm>> -> memref<1x50x128xf32, #tpu.memory_space<hbm>>
      %dma_start3A_960 = tpu.memref_squeeze %dma_start3A_959 : memref<1x50x128xf32, #tpu.memory_space<hbm>> -> memref<50x128xf32, #tpu.memory_space<hbm>>
      %dma_start3A_961 = arith.constant 0 : i32
      %dma_start3A_962 = arith.constant 0 : i32
      %dma_start3A_963 = tpu.memref_slice %arg6[%dma_start3A_945, %dma_start3A_961, %dma_start3A_962] : memref<8x50x128xf32, #tpu.memory_space<vmem>> -> memref<1x50x128xf32, #tpu.memory_space<vmem>>
      %dma_start3A_964 = tpu.memref_squeeze %dma_start3A_963 : memref<1x50x128xf32, #tpu.memory_space<vmem>> -> memref<50x128xf32, #tpu.memory_space<vmem>>
      tpu.enqueue_dma source(%dma_start3A_964 : memref<50x128xf32, #tpu.memory_space<vmem>>) target(%dma_start3A_960 : memref<50x128xf32, #tpu.memory_space<hbm>>) target_semaphore(%dma_start3A_956 : memref<!tpu.dma_semaphore, #tpu.memory_space<semaphore_mem>>)
      %dma_wait3A_965 = arith.constant 2 : i32
      %dma_wait3A_966 = arith.constant 2 : i32
      %dma_wait3A_967 = arith.constant 0 : i32
      %dma_wait3A_968 = arith.constant 0 : i32
      %dma_wait3A_969 = tpu.memref_slice %arg6[%dma_wait3A_965, %dma_wait3A_967, %dma_wait3A_968] : memref<8x50x128xf32, #tpu.memory_space<vmem>> -> memref<1x50x128xf32, #tpu.memory_space<vmem>>
      %dma_wait3A_970 = tpu.memref_squeeze %dma_wait3A_969 : memref<1x50x128xf32, #tpu.memory_space<vmem>> -> memref<50x128xf32, #tpu.memory_space<vmem>>
      %dma_wait3A_971 = arith.constant 0 : i32
      %dma_wait3A_972 = tpu.memref_slice %arg5[%add3A_682, %dma_wait3A_971] : memref<128x50xi32, #tpu.memory_space<vmem>> -> memref<1x50xi32, #tpu.memory_space<vmem>>
      %dma_wait3A_973 = tpu.memref_squeeze %dma_wait3A_972 : memref<1x50xi32, #tpu.memory_space<vmem>> -> memref<50xi32, #tpu.memory_space<vmem>>
      %dma_wait3A_974 = arith.constant 0 : i32
      %dma_wait3A_975 = arith.constant 0 : i32
      %dma_wait3A_976 = tpu.memref_slice %arg2[%dma_wait3A_974, %dma_wait3A_975] : memref<100000x128xf32, #tpu.memory_space<hbm>> -> memref<100000x128xf32, #tpu.memory_space<hbm>>
      %dma_wait3A_977 = tpu.memref_slice %arg7[%dma_wait3A_966] : memref<8x!tpu.dma_semaphore, #tpu.memory_space<semaphore_mem>> -> memref<1x!tpu.dma_semaphore, #tpu.memory_space<semaphore_mem>>
      %dma_wait3A_978 = tpu.memref_squeeze %dma_wait3A_977 : memref<1x!tpu.dma_semaphore, #tpu.memory_space<semaphore_mem>> -> memref<!tpu.dma_semaphore, #tpu.memory_space<semaphore_mem>>
      tpu.wait_indirect_dma semaphore(%dma_wait3A_978 : memref<!tpu.dma_semaphore, #tpu.memory_space<semaphore_mem>>) src(%dma_wait3A_976 : memref<100000x128xf32, #tpu.memory_space<hbm>>) dst(%dma_wait3A_970 : memref<50x128xf32, #tpu.memory_space<vmem>>)
      %mul3A_979 = arith.constant 8 : i32
      %mul3A_980 = arith.muli %scan3A_582, %mul3A_979 : i32
      %add3A_981 = arith.constant 2 : i32
      %add3A_982 = arith.addi %mul3A_980, %add3A_981 : i32
      %add3A_983 = arith.addi %mul3A_2, %add3A_982 : i32
      %dma_start3A_984 = arith.constant 2 : i32
      %dma_start3A_985 = arith.constant 2 : i32
      %dma_start3A_986 = arith.constant 0 : i32
      %dma_start3A_987 = arith.constant 0 : i32
      %dma_start3A_988 = tpu.memref_slice %arg6[%dma_start3A_984, %dma_start3A_986, %dma_start3A_987] : memref<8x50x128xf32, #tpu.memory_space<vmem>> -> memref<1x50x128xf32, #tpu.memory_space<vmem>>
      %dma_start3A_989 = tpu.memref_squeeze %dma_start3A_988 : memref<1x50x128xf32, #tpu.memory_space<vmem>> -> memref<50x128xf32, #tpu.memory_space<vmem>>
      %dma_start3A_990 = arith.constant 0 : i32
      %dma_start3A_991 = arith.constant 0 : i32
      %dma_start3A_992 = tpu.memref_slice %arg4[%add3A_983, %dma_start3A_990, %dma_start3A_991] : memref<4096x50x128xf32, #tpu.memory_space<hbm>> -> memref<1x50x128xf32, #tpu.memory_space<hbm>>
      %dma_start3A_993 = tpu.memref_squeeze %dma_start3A_992 : memref<1x50x128xf32, #tpu.memory_space<hbm>> -> memref<50x128xf32, #tpu.memory_space<hbm>>
      %dma_start3A_994 = tpu.memref_slice %arg8[%dma_start3A_985] : memref<8x!tpu.dma_semaphore, #tpu.memory_space<semaphore_mem>> -> memref<1x!tpu.dma_semaphore, #tpu.memory_space<semaphore_mem>>
      %dma_start3A_995 = tpu.memref_squeeze %dma_start3A_994 : memref<1x!tpu.dma_semaphore, #tpu.memory_space<semaphore_mem>> -> memref<!tpu.dma_semaphore, #tpu.memory_space<semaphore_mem>>
      %dma_start3A_996 = arith.constant 0 : i32
      %dma_start3A_997 = arith.constant 0 : i32
      %dma_start3A_998 = tpu.memref_slice %arg4[%add3A_983, %dma_start3A_996, %dma_start3A_997] : memref<4096x50x128xf32, #tpu.memory_space<hbm>> -> memref<1x50x128xf32, #tpu.memory_space<hbm>>
      %dma_start3A_999 = tpu.memref_squeeze %dma_start3A_998 : memref<1x50x128xf32, #tpu.memory_space<hbm>> -> memref<50x128xf32, #tpu.memory_space<hbm>>
      %dma_start3A_1000 = arith.constant 0 : i32
      %dma_start3A_1001 = arith.constant 0 : i32
      %dma_start3A_1002 = tpu.memref_slice %arg6[%dma_start3A_984, %dma_start3A_1000, %dma_start3A_1001] : memref<8x50x128xf32, #tpu.memory_space<vmem>> -> memref<1x50x128xf32, #tpu.memory_space<vmem>>
      %dma_start3A_1003 = tpu.memref_squeeze %dma_start3A_1002 : memref<1x50x128xf32, #tpu.memory_space<vmem>> -> memref<50x128xf32, #tpu.memory_space<vmem>>
      tpu.enqueue_dma source(%dma_start3A_1003 : memref<50x128xf32, #tpu.memory_space<vmem>>) target(%dma_start3A_999 : memref<50x128xf32, #tpu.memory_space<hbm>>) target_semaphore(%dma_start3A_995 : memref<!tpu.dma_semaphore, #tpu.memory_space<semaphore_mem>>)
      %dma_wait3A_1004 = arith.constant 3 : i32
      %dma_wait3A_1005 = arith.constant 3 : i32
      %dma_wait3A_1006 = arith.constant 0 : i32
      %dma_wait3A_1007 = arith.constant 0 : i32
      %dma_wait3A_1008 = tpu.memref_slice %arg6[%dma_wait3A_1004, %dma_wait3A_1006, %dma_wait3A_1007] : memref<8x50x128xf32, #tpu.memory_space<vmem>> -> memref<1x50x128xf32, #tpu.memory_space<vmem>>
      %dma_wait3A_1009 = tpu.memref_squeeze %dma_wait3A_1008 : memref<1x50x128xf32, #tpu.memory_space<vmem>> -> memref<50x128xf32, #tpu.memory_space<vmem>>
      %dma_wait3A_1010 = arith.constant 0 : i32
      %dma_wait3A_1011 = tpu.memref_slice %arg5[%add3A_720, %dma_wait3A_1010] : memref<128x50xi32, #tpu.memory_space<vmem>> -> memref<1x50xi32, #tpu.memory_space<vmem>>
      %dma_wait3A_1012 = tpu.memref_squeeze %dma_wait3A_1011 : memref<1x50xi32, #tpu.memory_space<vmem>> -> memref<50xi32, #tpu.memory_space<vmem>>
      %dma_wait3A_1013 = arith.constant 0 : i32
      %dma_wait3A_1014 = arith.constant 0 : i32
      %dma_wait3A_1015 = tpu.memref_slice %arg2[%dma_wait3A_1013, %dma_wait3A_1014] : memref<100000x128xf32, #tpu.memory_space<hbm>> -> memref<100000x128xf32, #tpu.memory_space<hbm>>
      %dma_wait3A_1016 = tpu.memref_slice %arg7[%dma_wait3A_1005] : memref<8x!tpu.dma_semaphore, #tpu.memory_space<semaphore_mem>> -> memref<1x!tpu.dma_semaphore, #tpu.memory_space<semaphore_mem>>
      %dma_wait3A_1017 = tpu.memref_squeeze %dma_wait3A_1016 : memref<1x!tpu.dma_semaphore, #tpu.memory_space<semaphore_mem>> -> memref<!tpu.dma_semaphore, #tpu.memory_space<semaphore_mem>>
      tpu.wait_indirect_dma semaphore(%dma_wait3A_1017 : memref<!tpu.dma_semaphore, #tpu.memory_space<semaphore_mem>>) src(%dma_wait3A_1015 : memref<100000x128xf32, #tpu.memory_space<hbm>>) dst(%dma_wait3A_1009 : memref<50x128xf32, #tpu.memory_space<vmem>>)
      %mul3A_1018 = arith.constant 8 : i32
      %mul3A_1019 = arith.muli %scan3A_582, %mul3A_1018 : i32
      %add3A_1020 = arith.constant 3 : i32
      %add3A_1021 = arith.addi %mul3A_1019, %add3A_1020 : i32
      %add3A_1022 = arith.addi %mul3A_2, %add3A_1021 : i32
      %dma_start3A_1023 = arith.constant 3 : i32
      %dma_start3A_1024 = arith.constant 3 : i32
      %dma_start3A_1025 = arith.constant 0 : i32
      %dma_start3A_1026 = arith.constant 0 : i32
      %dma_start3A_1027 = tpu.memref_slice %arg6[%dma_start3A_1023, %dma_start3A_1025, %dma_start3A_1026] : memref<8x50x128xf32, #tpu.memory_space<vmem>> -> memref<1x50x128xf32, #tpu.memory_space<vmem>>
      %dma_start3A_1028 = tpu.memref_squeeze %dma_start3A_1027 : memref<1x50x128xf32, #tpu.memory_space<vmem>> -> memref<50x128xf32, #tpu.memory_space<vmem>>
      %dma_start3A_1029 = arith.constant 0 : i32
      %dma_start3A_1030 = arith.constant 0 : i32
      %dma_start3A_1031 = tpu.memref_slice %arg4[%add3A_1022, %dma_start3A_1029, %dma_start3A_1030] : memref<4096x50x128xf32, #tpu.memory_space<hbm>> -> memref<1x50x128xf32, #tpu.memory_space<hbm>>
      %dma_start3A_1032 = tpu.memref_squeeze %dma_start3A_1031 : memref<1x50x128xf32, #tpu.memory_space<hbm>> -> memref<50x128xf32, #tpu.memory_space<hbm>>
      %dma_start3A_1033 = tpu.memref_slice %arg8[%dma_start3A_1024] : memref<8x!tpu.dma_semaphore, #tpu.memory_space<semaphore_mem>> -> memref<1x!tpu.dma_semaphore, #tpu.memory_space<semaphore_mem>>
      %dma_start3A_1034 = tpu.memref_squeeze %dma_start3A_1033 : memref<1x!tpu.dma_semaphore, #tpu.memory_space<semaphore_mem>> -> memref<!tpu.dma_semaphore, #tpu.memory_space<semaphore_mem>>
      %dma_start3A_1035 = arith.constant 0 : i32
      %dma_start3A_1036 = arith.constant 0 : i32
      %dma_start3A_1037 = tpu.memref_slice %arg4[%add3A_1022, %dma_start3A_1035, %dma_start3A_1036] : memref<4096x50x128xf32, #tpu.memory_space<hbm>> -> memref<1x50x128xf32, #tpu.memory_space<hbm>>
      %dma_start3A_1038 = tpu.memref_squeeze %dma_start3A_1037 : memref<1x50x128xf32, #tpu.memory_space<hbm>> -> memref<50x128xf32, #tpu.memory_space<hbm>>
      %dma_start3A_1039 = arith.constant 0 : i32
      %dma_start3A_1040 = arith.constant 0 : i32
      %dma_start3A_1041 = tpu.memref_slice %arg6[%dma_start3A_1023, %dma_start3A_1039, %dma_start3A_1040] : memref<8x50x128xf32, #tpu.memory_space<vmem>> -> memref<1x50x128xf32, #tpu.memory_space<vmem>>
      %dma_start3A_1042 = tpu.memref_squeeze %dma_start3A_1041 : memref<1x50x128xf32, #tpu.memory_space<vmem>> -> memref<50x128xf32, #tpu.memory_space<vmem>>
      tpu.enqueue_dma source(%dma_start3A_1042 : memref<50x128xf32, #tpu.memory_space<vmem>>) target(%dma_start3A_1038 : memref<50x128xf32, #tpu.memory_space<hbm>>) target_semaphore(%dma_start3A_1034 : memref<!tpu.dma_semaphore, #tpu.memory_space<semaphore_mem>>)
      %dma_wait3A_1043 = arith.constant 4 : i32
      %dma_wait3A_1044 = arith.constant 4 : i32
      %dma_wait3A_1045 = arith.constant 0 : i32
      %dma_wait3A_1046 = arith.constant 0 : i32
      %dma_wait3A_1047 = tpu.memref_slice %arg6[%dma_wait3A_1043, %dma_wait3A_1045, %dma_wait3A_1046] : memref<8x50x128xf32, #tpu.memory_space<vmem>> -> memref<1x50x128xf32, #tpu.memory_space<vmem>>
      %dma_wait3A_1048 = tpu.memref_squeeze %dma_wait3A_1047 : memref<1x50x128xf32, #tpu.memory_space<vmem>> -> memref<50x128xf32, #tpu.memory_space<vmem>>
      %dma_wait3A_1049 = arith.constant 0 : i32
      %dma_wait3A_1050 = tpu.memref_slice %arg5[%add3A_758, %dma_wait3A_1049] : memref<128x50xi32, #tpu.memory_space<vmem>> -> memref<1x50xi32, #tpu.memory_space<vmem>>
      %dma_wait3A_1051 = tpu.memref_squeeze %dma_wait3A_1050 : memref<1x50xi32, #tpu.memory_space<vmem>> -> memref<50xi32, #tpu.memory_space<vmem>>
      %dma_wait3A_1052 = arith.constant 0 : i32
      %dma_wait3A_1053 = arith.constant 0 : i32
      %dma_wait3A_1054 = tpu.memref_slice %arg2[%dma_wait3A_1052, %dma_wait3A_1053] : memref<100000x128xf32, #tpu.memory_space<hbm>> -> memref<100000x128xf32, #tpu.memory_space<hbm>>
      %dma_wait3A_1055 = tpu.memref_slice %arg7[%dma_wait3A_1044] : memref<8x!tpu.dma_semaphore, #tpu.memory_space<semaphore_mem>> -> memref<1x!tpu.dma_semaphore, #tpu.memory_space<semaphore_mem>>
      %dma_wait3A_1056 = tpu.memref_squeeze %dma_wait3A_1055 : memref<1x!tpu.dma_semaphore, #tpu.memory_space<semaphore_mem>> -> memref<!tpu.dma_semaphore, #tpu.memory_space<semaphore_mem>>
      tpu.wait_indirect_dma semaphore(%dma_wait3A_1056 : memref<!tpu.dma_semaphore, #tpu.memory_space<semaphore_mem>>) src(%dma_wait3A_1054 : memref<100000x128xf32, #tpu.memory_space<hbm>>) dst(%dma_wait3A_1048 : memref<50x128xf32, #tpu.memory_space<vmem>>)
      %mul3A_1057 = arith.constant 8 : i32
      %mul3A_1058 = arith.muli %scan3A_582, %mul3A_1057 : i32
      %add3A_1059 = arith.constant 4 : i32
      %add3A_1060 = arith.addi %mul3A_1058, %add3A_1059 : i32
      %add3A_1061 = arith.addi %mul3A_2, %add3A_1060 : i32
      %dma_start3A_1062 = arith.constant 4 : i32
      %dma_start3A_1063 = arith.constant 4 : i32
      %dma_start3A_1064 = arith.constant 0 : i32
      %dma_start3A_1065 = arith.constant 0 : i32
      %dma_start3A_1066 = tpu.memref_slice %arg6[%dma_start3A_1062, %dma_start3A_1064, %dma_start3A_1065] : memref<8x50x128xf32, #tpu.memory_space<vmem>> -> memref<1x50x128xf32, #tpu.memory_space<vmem>>
      %dma_start3A_1067 = tpu.memref_squeeze %dma_start3A_1066 : memref<1x50x128xf32, #tpu.memory_space<vmem>> -> memref<50x128xf32, #tpu.memory_space<vmem>>
      %dma_start3A_1068 = arith.constant 0 : i32
      %dma_start3A_1069 = arith.constant 0 : i32
      %dma_start3A_1070 = tpu.memref_slice %arg4[%add3A_1061, %dma_start3A_1068, %dma_start3A_1069] : memref<4096x50x128xf32, #tpu.memory_space<hbm>> -> memref<1x50x128xf32, #tpu.memory_space<hbm>>
      %dma_start3A_1071 = tpu.memref_squeeze %dma_start3A_1070 : memref<1x50x128xf32, #tpu.memory_space<hbm>> -> memref<50x128xf32, #tpu.memory_space<hbm>>
      %dma_start3A_1072 = tpu.memref_slice %arg8[%dma_start3A_1063] : memref<8x!tpu.dma_semaphore, #tpu.memory_space<semaphore_mem>> -> memref<1x!tpu.dma_semaphore, #tpu.memory_space<semaphore_mem>>
      %dma_start3A_1073 = tpu.memref_squeeze %dma_start3A_1072 : memref<1x!tpu.dma_semaphore, #tpu.memory_space<semaphore_mem>> -> memref<!tpu.dma_semaphore, #tpu.memory_space<semaphore_mem>>
      %dma_start3A_1074 = arith.constant 0 : i32
      %dma_start3A_1075 = arith.constant 0 : i32
      %dma_start3A_1076 = tpu.memref_slice %arg4[%add3A_1061, %dma_start3A_1074, %dma_start3A_1075] : memref<4096x50x128xf32, #tpu.memory_space<hbm>> -> memref<1x50x128xf32, #tpu.memory_space<hbm>>
      %dma_start3A_1077 = tpu.memref_squeeze %dma_start3A_1076 : memref<1x50x128xf32, #tpu.memory_space<hbm>> -> memref<50x128xf32, #tpu.memory_space<hbm>>
      %dma_start3A_1078 = arith.constant 0 : i32
      %dma_start3A_1079 = arith.constant 0 : i32
      %dma_start3A_1080 = tpu.memref_slice %arg6[%dma_start3A_1062, %dma_start3A_1078, %dma_start3A_1079] : memref<8x50x128xf32, #tpu.memory_space<vmem>> -> memref<1x50x128xf32, #tpu.memory_space<vmem>>
      %dma_start3A_1081 = tpu.memref_squeeze %dma_start3A_1080 : memref<1x50x128xf32, #tpu.memory_space<vmem>> -> memref<50x128xf32, #tpu.memory_space<vmem>>
      tpu.enqueue_dma source(%dma_start3A_1081 : memref<50x128xf32, #tpu.memory_space<vmem>>) target(%dma_start3A_1077 : memref<50x128xf32, #tpu.memory_space<hbm>>) target_semaphore(%dma_start3A_1073 : memref<!tpu.dma_semaphore, #tpu.memory_space<semaphore_mem>>)
      %dma_wait3A_1082 = arith.constant 5 : i32
      %dma_wait3A_1083 = arith.constant 5 : i32
      %dma_wait3A_1084 = arith.constant 0 : i32
      %dma_wait3A_1085 = arith.constant 0 : i32
      %dma_wait3A_1086 = tpu.memref_slice %arg6[%dma_wait3A_1082, %dma_wait3A_1084, %dma_wait3A_1085] : memref<8x50x128xf32, #tpu.memory_space<vmem>> -> memref<1x50x128xf32, #tpu.memory_space<vmem>>
      %dma_wait3A_1087 = tpu.memref_squeeze %dma_wait3A_1086 : memref<1x50x128xf32, #tpu.memory_space<vmem>> -> memref<50x128xf32, #tpu.memory_space<vmem>>
      %dma_wait3A_1088 = arith.constant 0 : i32
      %dma_wait3A_1089 = tpu.memref_slice %arg5[%add3A_796, %dma_wait3A_1088] : memref<128x50xi32, #tpu.memory_space<vmem>> -> memref<1x50xi32, #tpu.memory_space<vmem>>
      %dma_wait3A_1090 = tpu.memref_squeeze %dma_wait3A_1089 : memref<1x50xi32, #tpu.memory_space<vmem>> -> memref<50xi32, #tpu.memory_space<vmem>>
      %dma_wait3A_1091 = arith.constant 0 : i32
      %dma_wait3A_1092 = arith.constant 0 : i32
      %dma_wait3A_1093 = tpu.memref_slice %arg2[%dma_wait3A_1091, %dma_wait3A_1092] : memref<100000x128xf32, #tpu.memory_space<hbm>> -> memref<100000x128xf32, #tpu.memory_space<hbm>>
      %dma_wait3A_1094 = tpu.memref_slice %arg7[%dma_wait3A_1083] : memref<8x!tpu.dma_semaphore, #tpu.memory_space<semaphore_mem>> -> memref<1x!tpu.dma_semaphore, #tpu.memory_space<semaphore_mem>>
      %dma_wait3A_1095 = tpu.memref_squeeze %dma_wait3A_1094 : memref<1x!tpu.dma_semaphore, #tpu.memory_space<semaphore_mem>> -> memref<!tpu.dma_semaphore, #tpu.memory_space<semaphore_mem>>
      tpu.wait_indirect_dma semaphore(%dma_wait3A_1095 : memref<!tpu.dma_semaphore, #tpu.memory_space<semaphore_mem>>) src(%dma_wait3A_1093 : memref<100000x128xf32, #tpu.memory_space<hbm>>) dst(%dma_wait3A_1087 : memref<50x128xf32, #tpu.memory_space<vmem>>)
      %mul3A_1096 = arith.constant 8 : i32
      %mul3A_1097 = arith.muli %scan3A_582, %mul3A_1096 : i32
      %add3A_1098 = arith.constant 5 : i32
      %add3A_1099 = arith.addi %mul3A_1097, %add3A_1098 : i32
      %add3A_1100 = arith.addi %mul3A_2, %add3A_1099 : i32
      %dma_start3A_1101 = arith.constant 5 : i32
      %dma_start3A_1102 = arith.constant 5 : i32
      %dma_start3A_1103 = arith.constant 0 : i32
      %dma_start3A_1104 = arith.constant 0 : i32
      %dma_start3A_1105 = tpu.memref_slice %arg6[%dma_start3A_1101, %dma_start3A_1103, %dma_start3A_1104] : memref<8x50x128xf32, #tpu.memory_space<vmem>> -> memref<1x50x128xf32, #tpu.memory_space<vmem>>
      %dma_start3A_1106 = tpu.memref_squeeze %dma_start3A_1105 : memref<1x50x128xf32, #tpu.memory_space<vmem>> -> memref<50x128xf32, #tpu.memory_space<vmem>>
      %dma_start3A_1107 = arith.constant 0 : i32
      %dma_start3A_1108 = arith.constant 0 : i32
      %dma_start3A_1109 = tpu.memref_slice %arg4[%add3A_1100, %dma_start3A_1107, %dma_start3A_1108] : memref<4096x50x128xf32, #tpu.memory_space<hbm>> -> memref<1x50x128xf32, #tpu.memory_space<hbm>>
      %dma_start3A_1110 = tpu.memref_squeeze %dma_start3A_1109 : memref<1x50x128xf32, #tpu.memory_space<hbm>> -> memref<50x128xf32, #tpu.memory_space<hbm>>
      %dma_start3A_1111 = tpu.memref_slice %arg8[%dma_start3A_1102] : memref<8x!tpu.dma_semaphore, #tpu.memory_space<semaphore_mem>> -> memref<1x!tpu.dma_semaphore, #tpu.memory_space<semaphore_mem>>
      %dma_start3A_1112 = tpu.memref_squeeze %dma_start3A_1111 : memref<1x!tpu.dma_semaphore, #tpu.memory_space<semaphore_mem>> -> memref<!tpu.dma_semaphore, #tpu.memory_space<semaphore_mem>>
      %dma_start3A_1113 = arith.constant 0 : i32
      %dma_start3A_1114 = arith.constant 0 : i32
      %dma_start3A_1115 = tpu.memref_slice %arg4[%add3A_1100, %dma_start3A_1113, %dma_start3A_1114] : memref<4096x50x128xf32, #tpu.memory_space<hbm>> -> memref<1x50x128xf32, #tpu.memory_space<hbm>>
      %dma_start3A_1116 = tpu.memref_squeeze %dma_start3A_1115 : memref<1x50x128xf32, #tpu.memory_space<hbm>> -> memref<50x128xf32, #tpu.memory_space<hbm>>
      %dma_start3A_1117 = arith.constant 0 : i32
      %dma_start3A_1118 = arith.constant 0 : i32
      %dma_start3A_1119 = tpu.memref_slice %arg6[%dma_start3A_1101, %dma_start3A_1117, %dma_start3A_1118] : memref<8x50x128xf32, #tpu.memory_space<vmem>> -> memref<1x50x128xf32, #tpu.memory_space<vmem>>
      %dma_start3A_1120 = tpu.memref_squeeze %dma_start3A_1119 : memref<1x50x128xf32, #tpu.memory_space<vmem>> -> memref<50x128xf32, #tpu.memory_space<vmem>>
      tpu.enqueue_dma source(%dma_start3A_1120 : memref<50x128xf32, #tpu.memory_space<vmem>>) target(%dma_start3A_1116 : memref<50x128xf32, #tpu.memory_space<hbm>>) target_semaphore(%dma_start3A_1112 : memref<!tpu.dma_semaphore, #tpu.memory_space<semaphore_mem>>)
      %dma_wait3A_1121 = arith.constant 6 : i32
      %dma_wait3A_1122 = arith.constant 6 : i32
      %dma_wait3A_1123 = arith.constant 0 : i32
      %dma_wait3A_1124 = arith.constant 0 : i32
      %dma_wait3A_1125 = tpu.memref_slice %arg6[%dma_wait3A_1121, %dma_wait3A_1123, %dma_wait3A_1124] : memref<8x50x128xf32, #tpu.memory_space<vmem>> -> memref<1x50x128xf32, #tpu.memory_space<vmem>>
      %dma_wait3A_1126 = tpu.memref_squeeze %dma_wait3A_1125 : memref<1x50x128xf32, #tpu.memory_space<vmem>> -> memref<50x128xf32, #tpu.memory_space<vmem>>
      %dma_wait3A_1127 = arith.constant 0 : i32
      %dma_wait3A_1128 = tpu.memref_slice %arg5[%add3A_834, %dma_wait3A_1127] : memref<128x50xi32, #tpu.memory_space<vmem>> -> memref<1x50xi32, #tpu.memory_space<vmem>>
      %dma_wait3A_1129 = tpu.memref_squeeze %dma_wait3A_1128 : memref<1x50xi32, #tpu.memory_space<vmem>> -> memref<50xi32, #tpu.memory_space<vmem>>
      %dma_wait3A_1130 = arith.constant 0 : i32
      %dma_wait3A_1131 = arith.constant 0 : i32
      %dma_wait3A_1132 = tpu.memref_slice %arg2[%dma_wait3A_1130, %dma_wait3A_1131] : memref<100000x128xf32, #tpu.memory_space<hbm>> -> memref<100000x128xf32, #tpu.memory_space<hbm>>
      %dma_wait3A_1133 = tpu.memref_slice %arg7[%dma_wait3A_1122] : memref<8x!tpu.dma_semaphore, #tpu.memory_space<semaphore_mem>> -> memref<1x!tpu.dma_semaphore, #tpu.memory_space<semaphore_mem>>
      %dma_wait3A_1134 = tpu.memref_squeeze %dma_wait3A_1133 : memref<1x!tpu.dma_semaphore, #tpu.memory_space<semaphore_mem>> -> memref<!tpu.dma_semaphore, #tpu.memory_space<semaphore_mem>>
      tpu.wait_indirect_dma semaphore(%dma_wait3A_1134 : memref<!tpu.dma_semaphore, #tpu.memory_space<semaphore_mem>>) src(%dma_wait3A_1132 : memref<100000x128xf32, #tpu.memory_space<hbm>>) dst(%dma_wait3A_1126 : memref<50x128xf32, #tpu.memory_space<vmem>>)
      %mul3A_1135 = arith.constant 8 : i32
      %mul3A_1136 = arith.muli %scan3A_582, %mul3A_1135 : i32
      %add3A_1137 = arith.constant 6 : i32
      %add3A_1138 = arith.addi %mul3A_1136, %add3A_1137 : i32
      %add3A_1139 = arith.addi %mul3A_2, %add3A_1138 : i32
      %dma_start3A_1140 = arith.constant 6 : i32
      %dma_start3A_1141 = arith.constant 6 : i32
      %dma_start3A_1142 = arith.constant 0 : i32
      %dma_start3A_1143 = arith.constant 0 : i32
      %dma_start3A_1144 = tpu.memref_slice %arg6[%dma_start3A_1140, %dma_start3A_1142, %dma_start3A_1143] : memref<8x50x128xf32, #tpu.memory_space<vmem>> -> memref<1x50x128xf32, #tpu.memory_space<vmem>>
      %dma_start3A_1145 = tpu.memref_squeeze %dma_start3A_1144 : memref<1x50x128xf32, #tpu.memory_space<vmem>> -> memref<50x128xf32, #tpu.memory_space<vmem>>
      %dma_start3A_1146 = arith.constant 0 : i32
      %dma_start3A_1147 = arith.constant 0 : i32
      %dma_start3A_1148 = tpu.memref_slice %arg4[%add3A_1139, %dma_start3A_1146, %dma_start3A_1147] : memref<4096x50x128xf32, #tpu.memory_space<hbm>> -> memref<1x50x128xf32, #tpu.memory_space<hbm>>
      %dma_start3A_1149 = tpu.memref_squeeze %dma_start3A_1148 : memref<1x50x128xf32, #tpu.memory_space<hbm>> -> memref<50x128xf32, #tpu.memory_space<hbm>>
      %dma_start3A_1150 = tpu.memref_slice %arg8[%dma_start3A_1141] : memref<8x!tpu.dma_semaphore, #tpu.memory_space<semaphore_mem>> -> memref<1x!tpu.dma_semaphore, #tpu.memory_space<semaphore_mem>>
      %dma_start3A_1151 = tpu.memref_squeeze %dma_start3A_1150 : memref<1x!tpu.dma_semaphore, #tpu.memory_space<semaphore_mem>> -> memref<!tpu.dma_semaphore, #tpu.memory_space<semaphore_mem>>
      %dma_start3A_1152 = arith.constant 0 : i32
      %dma_start3A_1153 = arith.constant 0 : i32
      %dma_start3A_1154 = tpu.memref_slice %arg4[%add3A_1139, %dma_start3A_1152, %dma_start3A_1153] : memref<4096x50x128xf32, #tpu.memory_space<hbm>> -> memref<1x50x128xf32, #tpu.memory_space<hbm>>
      %dma_start3A_1155 = tpu.memref_squeeze %dma_start3A_1154 : memref<1x50x128xf32, #tpu.memory_space<hbm>> -> memref<50x128xf32, #tpu.memory_space<hbm>>
      %dma_start3A_1156 = arith.constant 0 : i32
      %dma_start3A_1157 = arith.constant 0 : i32
      %dma_start3A_1158 = tpu.memref_slice %arg6[%dma_start3A_1140, %dma_start3A_1156, %dma_start3A_1157] : memref<8x50x128xf32, #tpu.memory_space<vmem>> -> memref<1x50x128xf32, #tpu.memory_space<vmem>>
      %dma_start3A_1159 = tpu.memref_squeeze %dma_start3A_1158 : memref<1x50x128xf32, #tpu.memory_space<vmem>> -> memref<50x128xf32, #tpu.memory_space<vmem>>
      tpu.enqueue_dma source(%dma_start3A_1159 : memref<50x128xf32, #tpu.memory_space<vmem>>) target(%dma_start3A_1155 : memref<50x128xf32, #tpu.memory_space<hbm>>) target_semaphore(%dma_start3A_1151 : memref<!tpu.dma_semaphore, #tpu.memory_space<semaphore_mem>>)
      %dma_wait3A_1160 = arith.constant 7 : i32
      %dma_wait3A_1161 = arith.constant 7 : i32
      %dma_wait3A_1162 = arith.constant 0 : i32
      %dma_wait3A_1163 = arith.constant 0 : i32
      %dma_wait3A_1164 = tpu.memref_slice %arg6[%dma_wait3A_1160, %dma_wait3A_1162, %dma_wait3A_1163] : memref<8x50x128xf32, #tpu.memory_space<vmem>> -> memref<1x50x128xf32, #tpu.memory_space<vmem>>
      %dma_wait3A_1165 = tpu.memref_squeeze %dma_wait3A_1164 : memref<1x50x128xf32, #tpu.memory_space<vmem>> -> memref<50x128xf32, #tpu.memory_space<vmem>>
      %dma_wait3A_1166 = arith.constant 0 : i32
      %dma_wait3A_1167 = tpu.memref_slice %arg5[%add3A_872, %dma_wait3A_1166] : memref<128x50xi32, #tpu.memory_space<vmem>> -> memref<1x50xi32, #tpu.memory_space<vmem>>
      %dma_wait3A_1168 = tpu.memref_squeeze %dma_wait3A_1167 : memref<1x50xi32, #tpu.memory_space<vmem>> -> memref<50xi32, #tpu.memory_space<vmem>>
      %dma_wait3A_1169 = arith.constant 0 : i32
      %dma_wait3A_1170 = arith.constant 0 : i32
      %dma_wait3A_1171 = tpu.memref_slice %arg2[%dma_wait3A_1169, %dma_wait3A_1170] : memref<100000x128xf32, #tpu.memory_space<hbm>> -> memref<100000x128xf32, #tpu.memory_space<hbm>>
      %dma_wait3A_1172 = tpu.memref_slice %arg7[%dma_wait3A_1161] : memref<8x!tpu.dma_semaphore, #tpu.memory_space<semaphore_mem>> -> memref<1x!tpu.dma_semaphore, #tpu.memory_space<semaphore_mem>>
      %dma_wait3A_1173 = tpu.memref_squeeze %dma_wait3A_1172 : memref<1x!tpu.dma_semaphore, #tpu.memory_space<semaphore_mem>> -> memref<!tpu.dma_semaphore, #tpu.memory_space<semaphore_mem>>
      tpu.wait_indirect_dma semaphore(%dma_wait3A_1173 : memref<!tpu.dma_semaphore, #tpu.memory_space<semaphore_mem>>) src(%dma_wait3A_1171 : memref<100000x128xf32, #tpu.memory_space<hbm>>) dst(%dma_wait3A_1165 : memref<50x128xf32, #tpu.memory_space<vmem>>)
      %mul3A_1174 = arith.constant 8 : i32
      %mul3A_1175 = arith.muli %scan3A_582, %mul3A_1174 : i32
      %add3A_1176 = arith.constant 7 : i32
      %add3A_1177 = arith.addi %mul3A_1175, %add3A_1176 : i32
      %add3A_1178 = arith.addi %mul3A_2, %add3A_1177 : i32
      %dma_start3A_1179 = arith.constant 7 : i32
      %dma_start3A_1180 = arith.constant 7 : i32
      %dma_start3A_1181 = arith.constant 0 : i32
      %dma_start3A_1182 = arith.constant 0 : i32
      %dma_start3A_1183 = tpu.memref_slice %arg6[%dma_start3A_1179, %dma_start3A_1181, %dma_start3A_1182] : memref<8x50x128xf32, #tpu.memory_space<vmem>> -> memref<1x50x128xf32, #tpu.memory_space<vmem>>
      %dma_start3A_1184 = tpu.memref_squeeze %dma_start3A_1183 : memref<1x50x128xf32, #tpu.memory_space<vmem>> -> memref<50x128xf32, #tpu.memory_space<vmem>>
      %dma_start3A_1185 = arith.constant 0 : i32
      %dma_start3A_1186 = arith.constant 0 : i32
      %dma_start3A_1187 = tpu.memref_slice %arg4[%add3A_1178, %dma_start3A_1185, %dma_start3A_1186] : memref<4096x50x128xf32, #tpu.memory_space<hbm>> -> memref<1x50x128xf32, #tpu.memory_space<hbm>>
      %dma_start3A_1188 = tpu.memref_squeeze %dma_start3A_1187 : memref<1x50x128xf32, #tpu.memory_space<hbm>> -> memref<50x128xf32, #tpu.memory_space<hbm>>
      %dma_start3A_1189 = tpu.memref_slice %arg8[%dma_start3A_1180] : memref<8x!tpu.dma_semaphore, #tpu.memory_space<semaphore_mem>> -> memref<1x!tpu.dma_semaphore, #tpu.memory_space<semaphore_mem>>
      %dma_start3A_1190 = tpu.memref_squeeze %dma_start3A_1189 : memref<1x!tpu.dma_semaphore, #tpu.memory_space<semaphore_mem>> -> memref<!tpu.dma_semaphore, #tpu.memory_space<semaphore_mem>>
      %dma_start3A_1191 = arith.constant 0 : i32
      %dma_start3A_1192 = arith.constant 0 : i32
      %dma_start3A_1193 = tpu.memref_slice %arg4[%add3A_1178, %dma_start3A_1191, %dma_start3A_1192] : memref<4096x50x128xf32, #tpu.memory_space<hbm>> -> memref<1x50x128xf32, #tpu.memory_space<hbm>>
      %dma_start3A_1194 = tpu.memref_squeeze %dma_start3A_1193 : memref<1x50x128xf32, #tpu.memory_space<hbm>> -> memref<50x128xf32, #tpu.memory_space<hbm>>
      %dma_start3A_1195 = arith.constant 0 : i32
      %dma_start3A_1196 = arith.constant 0 : i32
      %dma_start3A_1197 = tpu.memref_slice %arg6[%dma_start3A_1179, %dma_start3A_1195, %dma_start3A_1196] : memref<8x50x128xf32, #tpu.memory_space<vmem>> -> memref<1x50x128xf32, #tpu.memory_space<vmem>>
      %dma_start3A_1198 = tpu.memref_squeeze %dma_start3A_1197 : memref<1x50x128xf32, #tpu.memory_space<vmem>> -> memref<50x128xf32, #tpu.memory_space<vmem>>
      tpu.enqueue_dma source(%dma_start3A_1198 : memref<50x128xf32, #tpu.memory_space<vmem>>) target(%dma_start3A_1194 : memref<50x128xf32, #tpu.memory_space<hbm>>) target_semaphore(%dma_start3A_1190 : memref<!tpu.dma_semaphore, #tpu.memory_space<semaphore_mem>>)
    }
    %scan3A_421 = arith.constant 15 : i32
    %dma_wait3A_422 = arith.constant 0 : i32
    %dma_wait3A_423 = arith.constant 0 : i32
    %dma_wait3A_424 = arith.constant 0 : i32
    %dma_wait3A_425 = arith.constant 0 : i32
    %dma_wait3A_426 = tpu.memref_slice %arg6[%dma_wait3A_422, %dma_wait3A_424, %dma_wait3A_425] : memref<8x50x128xf32, #tpu.memory_space<vmem>> -> memref<1x50x128xf32, #tpu.memory_space<vmem>>
    %dma_wait3A_427 = tpu.memref_squeeze %dma_wait3A_426 : memref<1x50x128xf32, #tpu.memory_space<vmem>> -> memref<50x128xf32, #tpu.memory_space<vmem>>
    %dma_wait3A_428 = arith.constant 0 : i32
    %dma_wait3A_429 = arith.constant 0 : i32
    %dma_wait3A_430 = tpu.memref_slice %arg4[%mul3A_2, %dma_wait3A_428, %dma_wait3A_429] : memref<4096x50x128xf32, #tpu.memory_space<hbm>> -> memref<1x50x128xf32, #tpu.memory_space<hbm>>
    %dma_wait3A_431 = tpu.memref_squeeze %dma_wait3A_430 : memref<1x50x128xf32, #tpu.memory_space<hbm>> -> memref<50x128xf32, #tpu.memory_space<hbm>>
    %dma_wait3A_432 = tpu.memref_slice %arg8[%dma_wait3A_423] : memref<8x!tpu.dma_semaphore, #tpu.memory_space<semaphore_mem>> -> memref<1x!tpu.dma_semaphore, #tpu.memory_space<semaphore_mem>>
    %dma_wait3A_433 = tpu.memref_squeeze %dma_wait3A_432 : memref<1x!tpu.dma_semaphore, #tpu.memory_space<semaphore_mem>> -> memref<!tpu.dma_semaphore, #tpu.memory_space<semaphore_mem>>
    %dma_wait3A_434 = arith.constant 0 : i32
    %dma_wait3A_435 = arith.constant 0 : i32
    %dma_wait3A_436 = tpu.memref_slice %arg4[%mul3A_2, %dma_wait3A_434, %dma_wait3A_435] : memref<4096x50x128xf32, #tpu.memory_space<hbm>> -> memref<1x50x128xf32, #tpu.memory_space<hbm>>
    %dma_wait3A_437 = tpu.memref_squeeze %dma_wait3A_436 : memref<1x50x128xf32, #tpu.memory_space<hbm>> -> memref<50x128xf32, #tpu.memory_space<hbm>>
    %dma_wait3A_438 = arith.constant 0 : i32
    %dma_wait3A_439 = arith.constant 0 : i32
    %dma_wait3A_440 = tpu.memref_slice %arg6[%dma_wait3A_422, %dma_wait3A_438, %dma_wait3A_439] : memref<8x50x128xf32, #tpu.memory_space<vmem>> -> memref<1x50x128xf32, #tpu.memory_space<vmem>>
    %dma_wait3A_441 = tpu.memref_squeeze %dma_wait3A_440 : memref<1x50x128xf32, #tpu.memory_space<vmem>> -> memref<50x128xf32, #tpu.memory_space<vmem>>
    tpu.wait_dma2 semaphore(%dma_wait3A_433 : memref<!tpu.dma_semaphore, #tpu.memory_space<semaphore_mem>>) src(%dma_wait3A_441 : memref<50x128xf32, #tpu.memory_space<vmem>>) dst(%dma_wait3A_437 : memref<50x128xf32, #tpu.memory_space<hbm>>)
    %dma_wait3A_442 = arith.constant 1 : i32
    %dma_wait3A_443 = arith.constant 1 : i32
    %dma_wait3A_444 = arith.constant 0 : i32
    %dma_wait3A_445 = arith.constant 0 : i32
    %dma_wait3A_446 = tpu.memref_slice %arg6[%dma_wait3A_442, %dma_wait3A_444, %dma_wait3A_445] : memref<8x50x128xf32, #tpu.memory_space<vmem>> -> memref<1x50x128xf32, #tpu.memory_space<vmem>>
    %dma_wait3A_447 = tpu.memref_squeeze %dma_wait3A_446 : memref<1x50x128xf32, #tpu.memory_space<vmem>> -> memref<50x128xf32, #tpu.memory_space<vmem>>
    %dma_wait3A_448 = arith.constant 0 : i32
    %dma_wait3A_449 = arith.constant 0 : i32
    %dma_wait3A_450 = tpu.memref_slice %arg4[%mul3A_2, %dma_wait3A_448, %dma_wait3A_449] : memref<4096x50x128xf32, #tpu.memory_space<hbm>> -> memref<1x50x128xf32, #tpu.memory_space<hbm>>
    %dma_wait3A_451 = tpu.memref_squeeze %dma_wait3A_450 : memref<1x50x128xf32, #tpu.memory_space<hbm>> -> memref<50x128xf32, #tpu.memory_space<hbm>>
    %dma_wait3A_452 = tpu.memref_slice %arg8[%dma_wait3A_443] : memref<8x!tpu.dma_semaphore, #tpu.memory_space<semaphore_mem>> -> memref<1x!tpu.dma_semaphore, #tpu.memory_space<semaphore_mem>>
    %dma_wait3A_453 = tpu.memref_squeeze %dma_wait3A_452 : memref<1x!tpu.dma_semaphore, #tpu.memory_space<semaphore_mem>> -> memref<!tpu.dma_semaphore, #tpu.memory_space<semaphore_mem>>
    %dma_wait3A_454 = arith.constant 0 : i32
    %dma_wait3A_455 = arith.constant 0 : i32
    %dma_wait3A_456 = tpu.memref_slice %arg4[%mul3A_2, %dma_wait3A_454, %dma_wait3A_455] : memref<4096x50x128xf32, #tpu.memory_space<hbm>> -> memref<1x50x128xf32, #tpu.memory_space<hbm>>
    %dma_wait3A_457 = tpu.memref_squeeze %dma_wait3A_456 : memref<1x50x128xf32, #tpu.memory_space<hbm>> -> memref<50x128xf32, #tpu.memory_space<hbm>>
    %dma_wait3A_458 = arith.constant 0 : i32
    %dma_wait3A_459 = arith.constant 0 : i32
    %dma_wait3A_460 = tpu.memref_slice %arg6[%dma_wait3A_442, %dma_wait3A_458, %dma_wait3A_459] : memref<8x50x128xf32, #tpu.memory_space<vmem>> -> memref<1x50x128xf32, #tpu.memory_space<vmem>>
    %dma_wait3A_461 = tpu.memref_squeeze %dma_wait3A_460 : memref<1x50x128xf32, #tpu.memory_space<vmem>> -> memref<50x128xf32, #tpu.memory_space<vmem>>
    tpu.wait_dma2 semaphore(%dma_wait3A_453 : memref<!tpu.dma_semaphore, #tpu.memory_space<semaphore_mem>>) src(%dma_wait3A_461 : memref<50x128xf32, #tpu.memory_space<vmem>>) dst(%dma_wait3A_457 : memref<50x128xf32, #tpu.memory_space<hbm>>)
    %dma_wait3A_462 = arith.constant 2 : i32
    %dma_wait3A_463 = arith.constant 2 : i32
    %dma_wait3A_464 = arith.constant 0 : i32
    %dma_wait3A_465 = arith.constant 0 : i32
    %dma_wait3A_466 = tpu.memref_slice %arg6[%dma_wait3A_462, %dma_wait3A_464, %dma_wait3A_465] : memref<8x50x128xf32, #tpu.memory_space<vmem>> -> memref<1x50x128xf32, #tpu.memory_space<vmem>>
    %dma_wait3A_467 = tpu.memref_squeeze %dma_wait3A_466 : memref<1x50x128xf32, #tpu.memory_space<vmem>> -> memref<50x128xf32, #tpu.memory_space<vmem>>
    %dma_wait3A_468 = arith.constant 0 : i32
    %dma_wait3A_469 = arith.constant 0 : i32
    %dma_wait3A_470 = tpu.memref_slice %arg4[%mul3A_2, %dma_wait3A_468, %dma_wait3A_469] : memref<4096x50x128xf32, #tpu.memory_space<hbm>> -> memref<1x50x128xf32, #tpu.memory_space<hbm>>
    %dma_wait3A_471 = tpu.memref_squeeze %dma_wait3A_470 : memref<1x50x128xf32, #tpu.memory_space<hbm>> -> memref<50x128xf32, #tpu.memory_space<hbm>>
    %dma_wait3A_472 = tpu.memref_slice %arg8[%dma_wait3A_463] : memref<8x!tpu.dma_semaphore, #tpu.memory_space<semaphore_mem>> -> memref<1x!tpu.dma_semaphore, #tpu.memory_space<semaphore_mem>>
    %dma_wait3A_473 = tpu.memref_squeeze %dma_wait3A_472 : memref<1x!tpu.dma_semaphore, #tpu.memory_space<semaphore_mem>> -> memref<!tpu.dma_semaphore, #tpu.memory_space<semaphore_mem>>
    %dma_wait3A_474 = arith.constant 0 : i32
    %dma_wait3A_475 = arith.constant 0 : i32
    %dma_wait3A_476 = tpu.memref_slice %arg4[%mul3A_2, %dma_wait3A_474, %dma_wait3A_475] : memref<4096x50x128xf32, #tpu.memory_space<hbm>> -> memref<1x50x128xf32, #tpu.memory_space<hbm>>
    %dma_wait3A_477 = tpu.memref_squeeze %dma_wait3A_476 : memref<1x50x128xf32, #tpu.memory_space<hbm>> -> memref<50x128xf32, #tpu.memory_space<hbm>>
    %dma_wait3A_478 = arith.constant 0 : i32
    %dma_wait3A_479 = arith.constant 0 : i32
    %dma_wait3A_480 = tpu.memref_slice %arg6[%dma_wait3A_462, %dma_wait3A_478, %dma_wait3A_479] : memref<8x50x128xf32, #tpu.memory_space<vmem>> -> memref<1x50x128xf32, #tpu.memory_space<vmem>>
    %dma_wait3A_481 = tpu.memref_squeeze %dma_wait3A_480 : memref<1x50x128xf32, #tpu.memory_space<vmem>> -> memref<50x128xf32, #tpu.memory_space<vmem>>
    tpu.wait_dma2 semaphore(%dma_wait3A_473 : memref<!tpu.dma_semaphore, #tpu.memory_space<semaphore_mem>>) src(%dma_wait3A_481 : memref<50x128xf32, #tpu.memory_space<vmem>>) dst(%dma_wait3A_477 : memref<50x128xf32, #tpu.memory_space<hbm>>)
    %dma_wait3A_482 = arith.constant 3 : i32
    %dma_wait3A_483 = arith.constant 3 : i32
    %dma_wait3A_484 = arith.constant 0 : i32
    %dma_wait3A_485 = arith.constant 0 : i32
    %dma_wait3A_486 = tpu.memref_slice %arg6[%dma_wait3A_482, %dma_wait3A_484, %dma_wait3A_485] : memref<8x50x128xf32, #tpu.memory_space<vmem>> -> memref<1x50x128xf32, #tpu.memory_space<vmem>>
    %dma_wait3A_487 = tpu.memref_squeeze %dma_wait3A_486 : memref<1x50x128xf32, #tpu.memory_space<vmem>> -> memref<50x128xf32, #tpu.memory_space<vmem>>
    %dma_wait3A_488 = arith.constant 0 : i32
    %dma_wait3A_489 = arith.constant 0 : i32
    %dma_wait3A_490 = tpu.memref_slice %arg4[%mul3A_2, %dma_wait3A_488, %dma_wait3A_489] : memref<4096x50x128xf32, #tpu.memory_space<hbm>> -> memref<1x50x128xf32, #tpu.memory_space<hbm>>
    %dma_wait3A_491 = tpu.memref_squeeze %dma_wait3A_490 : memref<1x50x128xf32, #tpu.memory_space<hbm>> -> memref<50x128xf32, #tpu.memory_space<hbm>>
    %dma_wait3A_492 = tpu.memref_slice %arg8[%dma_wait3A_483] : memref<8x!tpu.dma_semaphore, #tpu.memory_space<semaphore_mem>> -> memref<1x!tpu.dma_semaphore, #tpu.memory_space<semaphore_mem>>
    %dma_wait3A_493 = tpu.memref_squeeze %dma_wait3A_492 : memref<1x!tpu.dma_semaphore, #tpu.memory_space<semaphore_mem>> -> memref<!tpu.dma_semaphore, #tpu.memory_space<semaphore_mem>>
    %dma_wait3A_494 = arith.constant 0 : i32
    %dma_wait3A_495 = arith.constant 0 : i32
    %dma_wait3A_496 = tpu.memref_slice %arg4[%mul3A_2, %dma_wait3A_494, %dma_wait3A_495] : memref<4096x50x128xf32, #tpu.memory_space<hbm>> -> memref<1x50x128xf32, #tpu.memory_space<hbm>>
    %dma_wait3A_497 = tpu.memref_squeeze %dma_wait3A_496 : memref<1x50x128xf32, #tpu.memory_space<hbm>> -> memref<50x128xf32, #tpu.memory_space<hbm>>
    %dma_wait3A_498 = arith.constant 0 : i32
    %dma_wait3A_499 = arith.constant 0 : i32
    %dma_wait3A_500 = tpu.memref_slice %arg6[%dma_wait3A_482, %dma_wait3A_498, %dma_wait3A_499] : memref<8x50x128xf32, #tpu.memory_space<vmem>> -> memref<1x50x128xf32, #tpu.memory_space<vmem>>
    %dma_wait3A_501 = tpu.memref_squeeze %dma_wait3A_500 : memref<1x50x128xf32, #tpu.memory_space<vmem>> -> memref<50x128xf32, #tpu.memory_space<vmem>>
    tpu.wait_dma2 semaphore(%dma_wait3A_493 : memref<!tpu.dma_semaphore, #tpu.memory_space<semaphore_mem>>) src(%dma_wait3A_501 : memref<50x128xf32, #tpu.memory_space<vmem>>) dst(%dma_wait3A_497 : memref<50x128xf32, #tpu.memory_space<hbm>>)
    %dma_wait3A_502 = arith.constant 4 : i32
    %dma_wait3A_503 = arith.constant 4 : i32
    %dma_wait3A_504 = arith.constant 0 : i32
    %dma_wait3A_505 = arith.constant 0 : i32
    %dma_wait3A_506 = tpu.memref_slice %arg6[%dma_wait3A_502, %dma_wait3A_504, %dma_wait3A_505] : memref<8x50x128xf32, #tpu.memory_space<vmem>> -> memref<1x50x128xf32, #tpu.memory_space<vmem>>
    %dma_wait3A_507 = tpu.memref_squeeze %dma_wait3A_506 : memref<1x50x128xf32, #tpu.memory_space<vmem>> -> memref<50x128xf32, #tpu.memory_space<vmem>>
    %dma_wait3A_508 = arith.constant 0 : i32
    %dma_wait3A_509 = arith.constant 0 : i32
    %dma_wait3A_510 = tpu.memref_slice %arg4[%mul3A_2, %dma_wait3A_508, %dma_wait3A_509] : memref<4096x50x128xf32, #tpu.memory_space<hbm>> -> memref<1x50x128xf32, #tpu.memory_space<hbm>>
    %dma_wait3A_511 = tpu.memref_squeeze %dma_wait3A_510 : memref<1x50x128xf32, #tpu.memory_space<hbm>> -> memref<50x128xf32, #tpu.memory_space<hbm>>
    %dma_wait3A_512 = tpu.memref_slice %arg8[%dma_wait3A_503] : memref<8x!tpu.dma_semaphore, #tpu.memory_space<semaphore_mem>> -> memref<1x!tpu.dma_semaphore, #tpu.memory_space<semaphore_mem>>
    %dma_wait3A_513 = tpu.memref_squeeze %dma_wait3A_512 : memref<1x!tpu.dma_semaphore, #tpu.memory_space<semaphore_mem>> -> memref<!tpu.dma_semaphore, #tpu.memory_space<semaphore_mem>>
    %dma_wait3A_514 = arith.constant 0 : i32
    %dma_wait3A_515 = arith.constant 0 : i32
    %dma_wait3A_516 = tpu.memref_slice %arg4[%mul3A_2, %dma_wait3A_514, %dma_wait3A_515] : memref<4096x50x128xf32, #tpu.memory_space<hbm>> -> memref<1x50x128xf32, #tpu.memory_space<hbm>>
    %dma_wait3A_517 = tpu.memref_squeeze %dma_wait3A_516 : memref<1x50x128xf32, #tpu.memory_space<hbm>> -> memref<50x128xf32, #tpu.memory_space<hbm>>
    %dma_wait3A_518 = arith.constant 0 : i32
    %dma_wait3A_519 = arith.constant 0 : i32
    %dma_wait3A_520 = tpu.memref_slice %arg6[%dma_wait3A_502, %dma_wait3A_518, %dma_wait3A_519] : memref<8x50x128xf32, #tpu.memory_space<vmem>> -> memref<1x50x128xf32, #tpu.memory_space<vmem>>
    %dma_wait3A_521 = tpu.memref_squeeze %dma_wait3A_520 : memref<1x50x128xf32, #tpu.memory_space<vmem>> -> memref<50x128xf32, #tpu.memory_space<vmem>>
    tpu.wait_dma2 semaphore(%dma_wait3A_513 : memref<!tpu.dma_semaphore, #tpu.memory_space<semaphore_mem>>) src(%dma_wait3A_521 : memref<50x128xf32, #tpu.memory_space<vmem>>) dst(%dma_wait3A_517 : memref<50x128xf32, #tpu.memory_space<hbm>>)
    %dma_wait3A_522 = arith.constant 5 : i32
    %dma_wait3A_523 = arith.constant 5 : i32
    %dma_wait3A_524 = arith.constant 0 : i32
    %dma_wait3A_525 = arith.constant 0 : i32
    %dma_wait3A_526 = tpu.memref_slice %arg6[%dma_wait3A_522, %dma_wait3A_524, %dma_wait3A_525] : memref<8x50x128xf32, #tpu.memory_space<vmem>> -> memref<1x50x128xf32, #tpu.memory_space<vmem>>
    %dma_wait3A_527 = tpu.memref_squeeze %dma_wait3A_526 : memref<1x50x128xf32, #tpu.memory_space<vmem>> -> memref<50x128xf32, #tpu.memory_space<vmem>>
    %dma_wait3A_528 = arith.constant 0 : i32
    %dma_wait3A_529 = arith.constant 0 : i32
    %dma_wait3A_530 = tpu.memref_slice %arg4[%mul3A_2, %dma_wait3A_528, %dma_wait3A_529] : memref<4096x50x128xf32, #tpu.memory_space<hbm>> -> memref<1x50x128xf32, #tpu.memory_space<hbm>>
    %dma_wait3A_531 = tpu.memref_squeeze %dma_wait3A_530 : memref<1x50x128xf32, #tpu.memory_space<hbm>> -> memref<50x128xf32, #tpu.memory_space<hbm>>
    %dma_wait3A_532 = tpu.memref_slice %arg8[%dma_wait3A_523] : memref<8x!tpu.dma_semaphore, #tpu.memory_space<semaphore_mem>> -> memref<1x!tpu.dma_semaphore, #tpu.memory_space<semaphore_mem>>
    %dma_wait3A_533 = tpu.memref_squeeze %dma_wait3A_532 : memref<1x!tpu.dma_semaphore, #tpu.memory_space<semaphore_mem>> -> memref<!tpu.dma_semaphore, #tpu.memory_space<semaphore_mem>>
    %dma_wait3A_534 = arith.constant 0 : i32
    %dma_wait3A_535 = arith.constant 0 : i32
    %dma_wait3A_536 = tpu.memref_slice %arg4[%mul3A_2, %dma_wait3A_534, %dma_wait3A_535] : memref<4096x50x128xf32, #tpu.memory_space<hbm>> -> memref<1x50x128xf32, #tpu.memory_space<hbm>>
    %dma_wait3A_537 = tpu.memref_squeeze %dma_wait3A_536 : memref<1x50x128xf32, #tpu.memory_space<hbm>> -> memref<50x128xf32, #tpu.memory_space<hbm>>
    %dma_wait3A_538 = arith.constant 0 : i32
    %dma_wait3A_539 = arith.constant 0 : i32
    %dma_wait3A_540 = tpu.memref_slice %arg6[%dma_wait3A_522, %dma_wait3A_538, %dma_wait3A_539] : memref<8x50x128xf32, #tpu.memory_space<vmem>> -> memref<1x50x128xf32, #tpu.memory_space<vmem>>
    %dma_wait3A_541 = tpu.memref_squeeze %dma_wait3A_540 : memref<1x50x128xf32, #tpu.memory_space<vmem>> -> memref<50x128xf32, #tpu.memory_space<vmem>>
    tpu.wait_dma2 semaphore(%dma_wait3A_533 : memref<!tpu.dma_semaphore, #tpu.memory_space<semaphore_mem>>) src(%dma_wait3A_541 : memref<50x128xf32, #tpu.memory_space<vmem>>) dst(%dma_wait3A_537 : memref<50x128xf32, #tpu.memory_space<hbm>>)
    %dma_wait3A_542 = arith.constant 6 : i32
    %dma_wait3A_543 = arith.constant 6 : i32
    %dma_wait3A_544 = arith.constant 0 : i32
    %dma_wait3A_545 = arith.constant 0 : i32
    %dma_wait3A_546 = tpu.memref_slice %arg6[%dma_wait3A_542, %dma_wait3A_544, %dma_wait3A_545] : memref<8x50x128xf32, #tpu.memory_space<vmem>> -> memref<1x50x128xf32, #tpu.memory_space<vmem>>
    %dma_wait3A_547 = tpu.memref_squeeze %dma_wait3A_546 : memref<1x50x128xf32, #tpu.memory_space<vmem>> -> memref<50x128xf32, #tpu.memory_space<vmem>>
    %dma_wait3A_548 = arith.constant 0 : i32
    %dma_wait3A_549 = arith.constant 0 : i32
    %dma_wait3A_550 = tpu.memref_slice %arg4[%mul3A_2, %dma_wait3A_548, %dma_wait3A_549] : memref<4096x50x128xf32, #tpu.memory_space<hbm>> -> memref<1x50x128xf32, #tpu.memory_space<hbm>>
    %dma_wait3A_551 = tpu.memref_squeeze %dma_wait3A_550 : memref<1x50x128xf32, #tpu.memory_space<hbm>> -> memref<50x128xf32, #tpu.memory_space<hbm>>
    %dma_wait3A_552 = tpu.memref_slice %arg8[%dma_wait3A_543] : memref<8x!tpu.dma_semaphore, #tpu.memory_space<semaphore_mem>> -> memref<1x!tpu.dma_semaphore, #tpu.memory_space<semaphore_mem>>
    %dma_wait3A_553 = tpu.memref_squeeze %dma_wait3A_552 : memref<1x!tpu.dma_semaphore, #tpu.memory_space<semaphore_mem>> -> memref<!tpu.dma_semaphore, #tpu.memory_space<semaphore_mem>>
    %dma_wait3A_554 = arith.constant 0 : i32
    %dma_wait3A_555 = arith.constant 0 : i32
    %dma_wait3A_556 = tpu.memref_slice %arg4[%mul3A_2, %dma_wait3A_554, %dma_wait3A_555] : memref<4096x50x128xf32, #tpu.memory_space<hbm>> -> memref<1x50x128xf32, #tpu.memory_space<hbm>>
    %dma_wait3A_557 = tpu.memref_squeeze %dma_wait3A_556 : memref<1x50x128xf32, #tpu.memory_space<hbm>> -> memref<50x128xf32, #tpu.memory_space<hbm>>
    %dma_wait3A_558 = arith.constant 0 : i32
    %dma_wait3A_559 = arith.constant 0 : i32
    %dma_wait3A_560 = tpu.memref_slice %arg6[%dma_wait3A_542, %dma_wait3A_558, %dma_wait3A_559] : memref<8x50x128xf32, #tpu.memory_space<vmem>> -> memref<1x50x128xf32, #tpu.memory_space<vmem>>
    %dma_wait3A_561 = tpu.memref_squeeze %dma_wait3A_560 : memref<1x50x128xf32, #tpu.memory_space<vmem>> -> memref<50x128xf32, #tpu.memory_space<vmem>>
    tpu.wait_dma2 semaphore(%dma_wait3A_553 : memref<!tpu.dma_semaphore, #tpu.memory_space<semaphore_mem>>) src(%dma_wait3A_561 : memref<50x128xf32, #tpu.memory_space<vmem>>) dst(%dma_wait3A_557 : memref<50x128xf32, #tpu.memory_space<hbm>>)
    %dma_wait3A_562 = arith.constant 7 : i32
    %dma_wait3A_563 = arith.constant 7 : i32
    %dma_wait3A_564 = arith.constant 0 : i32
    %dma_wait3A_565 = arith.constant 0 : i32
    %dma_wait3A_566 = tpu.memref_slice %arg6[%dma_wait3A_562, %dma_wait3A_564, %dma_wait3A_565] : memref<8x50x128xf32, #tpu.memory_space<vmem>> -> memref<1x50x128xf32, #tpu.memory_space<vmem>>
    %dma_wait3A_567 = tpu.memref_squeeze %dma_wait3A_566 : memref<1x50x128xf32, #tpu.memory_space<vmem>> -> memref<50x128xf32, #tpu.memory_space<vmem>>
    %dma_wait3A_568 = arith.constant 0 : i32
    %dma_wait3A_569 = arith.constant 0 : i32
    %dma_wait3A_570 = tpu.memref_slice %arg4[%mul3A_2, %dma_wait3A_568, %dma_wait3A_569] : memref<4096x50x128xf32, #tpu.memory_space<hbm>> -> memref<1x50x128xf32, #tpu.memory_space<hbm>>
    %dma_wait3A_571 = tpu.memref_squeeze %dma_wait3A_570 : memref<1x50x128xf32, #tpu.memory_space<hbm>> -> memref<50x128xf32, #tpu.memory_space<hbm>>
    %dma_wait3A_572 = tpu.memref_slice %arg8[%dma_wait3A_563] : memref<8x!tpu.dma_semaphore, #tpu.memory_space<semaphore_mem>> -> memref<1x!tpu.dma_semaphore, #tpu.memory_space<semaphore_mem>>
    %dma_wait3A_573 = tpu.memref_squeeze %dma_wait3A_572 : memref<1x!tpu.dma_semaphore, #tpu.memory_space<semaphore_mem>> -> memref<!tpu.dma_semaphore, #tpu.memory_space<semaphore_mem>>
    %dma_wait3A_574 = arith.constant 0 : i32
    %dma_wait3A_575 = arith.constant 0 : i32
    %dma_wait3A_576 = tpu.memref_slice %arg4[%mul3A_2, %dma_wait3A_574, %dma_wait3A_575] : memref<4096x50x128xf32, #tpu.memory_space<hbm>> -> memref<1x50x128xf32, #tpu.memory_space<hbm>>
    %dma_wait3A_577 = tpu.memref_squeeze %dma_wait3A_576 : memref<1x50x128xf32, #tpu.memory_space<hbm>> -> memref<50x128xf32, #tpu.memory_space<hbm>>
    %dma_wait3A_578 = arith.constant 0 : i32
    %dma_wait3A_579 = arith.constant 0 : i32
    %dma_wait3A_580 = tpu.memref_slice %arg6[%dma_wait3A_562, %dma_wait3A_578, %dma_wait3A_579] : memref<8x50x128xf32, #tpu.memory_space<vmem>> -> memref<1x50x128xf32, #tpu.memory_space<vmem>>
    %dma_wait3A_581 = tpu.memref_squeeze %dma_wait3A_580 : memref<1x50x128xf32, #tpu.memory_space<vmem>> -> memref<50x128xf32, #tpu.memory_space<vmem>>
    tpu.wait_dma2 semaphore(%dma_wait3A_573 : memref<!tpu.dma_semaphore, #tpu.memory_space<semaphore_mem>>) src(%dma_wait3A_581 : memref<50x128xf32, #tpu.memory_space<vmem>>) dst(%dma_wait3A_577 : memref<50x128xf32, #tpu.memory_space<hbm>>)
    return
  }
}

</mosaic_0001>

<sc_bundles>
// kernel: kernel.3.cloned.1.call-start
scs
__scs_entry_jumppad:
0x0: {  	(pc) =	sbr.rel $0x88, $3  }
0x1: {  	(tag) =	ssettag $0x0;
	lr =	simm.s32 $0x1  }
0x2: {  	[smem:$0x3F9F] =	sst lr;
	_ =	strace $0xD0000000  }
0x3: {  	_ = 	snop  }
0x4: {  	_ = 	snop  }
0x5: {  	_ = 	snop  }
0x6: {  	_ = 	snop  }
0x7: {  	_ = 	snop  }
__scs_overlays_trampoline_lowered:
0x8: {  	[smem:$0x3FAE] =	sst s0  }
0x9: {  	[smem:$0x3FAF] =	sst s1  }
0xa: {  	[smem:$0x3FB0] =	sst s2  }
0xb: {  	[smem:$0x3FB1] =	sst s3  }
0xc: {  	[smem:$0x3FB2] =	sst s4  }
0xd: {  	[smem:$0x3FB3] =	sst s5  }
0xe: {  	[smem:$0x3FB4] =	sst s6  }
0xf: {  	[smem:$0x3FB5] =	sst s7  }
0x10: {  	[smem:$0x3FB6] =	sst s8  }
0x11: {  	[smem:$0x3FB7] =	sst s9;
	s0 =	simm.s32 @!p0 $0x0  }
0x12: {  	s1 =	sld [smem:$0x3F9D];
	s0 =	simm.s32 @p0 $0x1  }
0x13: {  	[smem:$0x3FB8] =	sst s0;
	s0 =	simm.s32 @!p1 $0x0  }
0x14: {  	s2 =	sld [smem:$0x3F9C];
	s0 =	simm.s32 @p1 $0x1  }
0x15: {  	[smem:$0x3FB9] =	sst s0;
	s0 =	simm.s32 @!p2 $0x0  }
0x16: {  	s3 =	sld [smem:$0x3FDB];
	s0 =	simm.s32 @p2 $0x1  }
0x17: {  	s4 =	simm.s32 $0x1BF5;
	[smem:$0x3FBB] =	sst s0  }
0x18: {  	s0 =	sld [smem:$0x3F9E];
	_ =	swait.ge [sflag:s4], $0x0  }
0x19: {  	s7 =	sld [smem:$0x3F9F]  }
0x1a: {  	s8 =	sadd.s32 $0xFFFFE003, lr  }
0x1b: {  	s9 =	sadd.s32 $0xFFFFFEF7, lr;
	s5 =	simm.s32 $0xFFFFFFFF;
	p2 =	slt.u32 s8, $0xFFFFF086  }
0x1c: {  	p1 =	slt.u32 s9, $0xF7A;
	s5 =	simm.s32 @!p2 $0x0  }
0x1d: {  	s5 =	simm.s32 @p1 $0x1;
	p0 =	seq.s32 s7, s2  }
0x1e: {  	s7 =	smul.u32 @!p0 $0xF7A, s2;
	p2 =	seq.s32 @!p0 s5, $0x0  }
0x1f: {  	s9 =	smul.u32 $0xF7A, s1;
	s8 =	simm.s32 @!p0 $0x1BF5;
	p2 =	por !p2, p0  }
0x20: {  	[sflag:s8] =	ssyncset.s32 @!p0 $0xFFFFF086;
	s6 =	sadd.s32 @!p0 s3, s7;
	s7 =	simm.s32 @!p0 $0x108  }
0x21: {  	s3 =	sadd.s32 s3, s9;
	s6 =	sadd.s32 @!p0 $0x88, s6;
	s7 =	simm.s32 @p2 $0x1082  }
0x22: {  	[simem:s7], [sflag:s8] =	dma.local @!p0 [hbm:s6], $0xF7A  }
0x23: {  	s9 =	sor.u32 $0xD0000000, s2;
	s6 =	simm.s32 $0x108;
	_ =	swait.ge @!p0 [sflag:s8], $0x0  }
0x24: {  	s3 =	sadd.s32 $0x88, s3;
	s6 =	simm.s32 @!p1 $0x1082;
	[sflag:s4] =	ssyncset.s32 $0xFFFFF086  }
0x25: {  	[simem:s6], [sflag:s4] =	dma.local [hbm:s3], $0xF7A  }
0x26: {  	[smem:$0x3F9F] =	sst s1;
	(tag) =	ssettag s2;
	_ =	strace s9  }
0x27: {  	s1 =	sld [smem:$0x3FAF]  }
0x28: {  	s2 =	sld [smem:$0x3FB0]  }
0x29: {  	s4 =	sld [smem:$0x3FB2]  }
0x2a: {  	p0 =	seq.s32 s5, $0x0;
	s5 =	sld [smem:$0x3FB3]  }
0x2b: {  	s6 =	sld [smem:$0x3FB4]  }
0x2c: {  	s7 =	sld [smem:$0x3FB5]  }
0x2d: {  	s3 =	simm.s32 $0x108;
	s8 =	sld [smem:$0x3FB6]  }
0x2e: {  	s3 =	simm.s32 @!p0 $0x1082;
	s9 =	sld [smem:$0x3FB7]  }
0x2f: {  	lr =	sadd.s32 s0, s3;
	s0 =	sld [smem:$0x3FAE]  }
0x30: {  	s3 =	sld [smem:$0x3FB1]  }
0x31: {  	[smem:$0x3FBA] =	sst s10  }
0x32: {  	s10 =	sld [smem:$0x3FB8];
	_ =	sdelay $0x3  }
0x33: {  	p0 =	seq.s32 s10, $0x1;
	s10 =	sld [smem:$0x3FBA];
	_ =	sdelay $0x3  }
0x34: {  	[smem:$0x3FBA] =	sst s10  }
0x35: {  	s10 =	sld [smem:$0x3FB9];
	_ =	sdelay $0x3  }
0x36: {  	p1 =	seq.s32 s10, $0x1;
	s10 =	sld [smem:$0x3FBA];
	_ =	sdelay $0x3  }
0x37: {  	[smem:$0x3FBA] =	sst s10  }
0x38: {  	s10 =	sld [smem:$0x3FBB]  }
0x39: {  	_ = 	snop;
	(pc) =	sbr.ind lr, $3  }
0x3a: {  	_ = 	snop  }
0x3b: {  	_ = 	snop  }
0x3c: {  	p2 =	seq.s32 s10, $0x1;
	s10 =	sld [smem:$0x3FBA]  }
0x3d: {  	_ =	shalt  }
0x3e: {  	_ =	shalt  }
0x3f: {  	_ =	shalt  }
0x40: {  	_ =	shalt  }
0x41: {  	_ =	shalt  }
0x42: {  	_ =	shalt  }
0x43: {  	_ =	shalt  }
0x44: {  	_ =	shalt  }
0x45: {  	_ =	shalt  }
0x46: {  	_ =	shalt  }
0x47: {  	_ =	shalt  }
0x48: {  	_ =	shalt  }
0x49: {  	_ =	shalt  }
0x4a: {  	_ =	shalt  }
0x4b: {  	_ =	shalt  }
0x4c: {  	_ =	shalt  }
0x4d: {  	_ =	shalt  }
0x4e: {  	_ =	shalt  }
0x4f: {  	_ =	shalt  }
0x50: {  	_ =	shalt  }
0x51: {  	_ =	shalt  }
0x52: {  	_ =	shalt  }
0x53: {  	_ =	shalt  }
0x54: {  	_ =	shalt  }
0x55: {  	_ =	shalt  }
0x56: {  	_ =	shalt  }
0x57: {  	_ =	shalt  }
0x58: {  	_ =	shalt  }
0x59: {  	_ =	shalt  }
0x5a: {  	_ =	shalt  }
0x5b: {  	_ =	shalt  }
0x5c: {  	_ =	shalt  }
0x5d: {  	_ =	shalt  }
0x5e: {  	_ =	shalt  }
0x5f: {  	_ =	shalt  }
0x60: {  	_ =	shalt  }
0x61: {  	_ =	shalt  }
0x62: {  	_ =	shalt  }
0x63: {  	_ =	shalt  }
0x64: {  	_ =	shalt  }
0x65: {  	_ =	shalt  }
0x66: {  	_ =	shalt  }
0x67: {  	_ =	shalt  }
0x68: {  	_ =	shalt  }
0x69: {  	_ =	shalt  }
0x6a: {  	_ =	shalt  }
0x6b: {  	_ =	shalt  }
0x6c: {  	_ =	shalt  }
0x6d: {  	_ =	shalt  }
0x6e: {  	_ =	shalt  }
0x6f: {  	_ =	shalt  }
0x70: {  	_ =	shalt  }
0x71: {  	_ =	shalt  }
0x72: {  	_ =	shalt  }
0x73: {  	_ =	shalt  }
0x74: {  	_ =	shalt  }
0x75: {  	_ =	shalt  }
0x76: {  	_ =	shalt  }
0x77: {  	_ =	shalt  }
0x78: {  	_ =	shalt  }
0x79: {  	_ =	shalt  }
0x7a: {  	_ =	shalt  }
0x7b: {  	_ =	shalt  }
0x7c: {  	_ =	shalt  }
0x7d: {  	_ =	shalt  }
0x7e: {  	_ =	shalt  }
0x7f: {  	_ =	shalt  }
0x80: {  	_ =	shalt  }
0x81: {  	_ =	shalt  }
0x82: {  	_ =	shalt  }
0x83: {  	_ =	shalt  }
0x84: {  	_ =	shalt  }
0x85: {  	_ =	shalt  }
0x86: {  	_ =	shalt  }
0x87: {  	_ =	shalt  }
.Lfunc_end0:
.L_simem_size_0:
called_computation_lowered:
.L_overlay_start_0:
0x88: {  	s2 =	sld [smem:$0x3FD9]  }
0x89: {  	s3 =	sld [smem:$0x3FFE];
	_ =	sdelay $0x1  }
0x8a: {  	s1 =	srdreg.scid  }
0x8b: {  	s0 =	sand.u32 $0x1, s1  }
0x8c: {  	s17 =	sshll.u32 s0, $0xA;
	s2 =	sadd.s32 s3, s2  }
0x8d: {  	s2 =	sadd.s32 s2, s17  }
0x8e: {  	[smem:$0x3FC6] =	sst s2  }
0x8f: {  	_ = 	snop  }
0x90: {  	s2 =	sld [smem:$0x3FC8]  }
0x91: {  	s18 =	sld [smem:$0x3FD0];
	(tm) =	ssettm $0x1  }
0x92: {  	s4 =	sld [smem:$0x3FFB];
	_ =	sdelay $0x3  }
0x93: {  	_ =	strace s4  }
0x94: {  	s4 =	sld [smem:$0x3FFC];
	_ =	sdelay $0x3  }
0x95: {  	_ =	strace s4  }
0x96: {  	s4 =	sld [smem:$0x3FFD];
	_ =	sdelay $0x3  }
0x97: {  	_ =	strace s4  }
0x98: {  	_ =	strace $0x8FFFFFFF  }
0x99: {  	s19 =	sld [smem:$0x3FDB];
	_ =	sdelay $0x1  }
0x9a: {  	s5 =	simm.s32 $_scs_section_size  }
0x9b: {  	s6 =	simm.s32 $_size__tile_overlayer_lowered;
	s7 =	simm.s32 $_tile_overlayer_lowered  }
0x9c: {  	s22 =	simm.s32 $0x1BFF;
	s21 =	sshll.u32 s7, $0x1;
	s4 =	sadd.s32 s5, s19  }
0x9d: {  	s8 =	simm.s32 $0x0;
	s20 =	sshll.u32 s6, $0x1;
	s6 =	sadd.s32 s21, s4  }
0x9e: {  	[timem:s8], [sflag:s22] =	dma.local [hbm:s6], s20  }
0x9f: {  	_ =	swait.ge [sflag:s22], s20  }
0xa0: {  	s5 =	ssub.s32 $0x0, s20;
	[sflag:s22] =	ssyncset.done $0x0  }
0xa1: {  	[sflag:s22] =	ssyncadd.s32 s5;
	_ =	sdelay $0x1  }
0xa2: {  	s23 =	simm.s32 $0x1B8B  }
0xa3: {  	_ =	swait.ge [sflag:s23], $0x1  }
0xa4: {  	[sflag:s23] =	ssyncset.done $0x0  }
0xa5: {  	s25 =	simm.s32 $0x1B8E;
	s24 =	sld [smem:$0x3FFE];
	[sflag:s23] =	ssyncadd.s32 $0xFFFFFFFF  }
0xa6: {  	s26 =	simm.s32 $execute0_lowered;
	[smem:$0x3FD2] =	sst s25  }
0xa7: {  	s6 =	sshll.u32 s26, $0x1;
	_ =	strace $0x80000046;
	[dreg:$0x1] =	wrdreg $0xFFFFFFFF  }
0xa8: {  	s28 =	simm.s32 $_size_execute0_lowered;
	s4 =	sadd.s32 s4, s6;
	[dreg:$0x0] =	wrdreg $0x0  }
0xa9: {  	s6 =	sshll.u32 s28, $0x1;
	[dreg:$0x2] =	wrdreg s4  }
0xaa: {  	[dreg:$0x3] =	wrdreg s6  }
0xab: {  	[dreg:$0x4] =	wrdreg $0xC0  }
0xac: {  	_ =	task [dreg:s8], $0x5FFFF  }
0xad: {  	[dreg:$0x1] =	wrdreg $0xFFFFFFFF  }
0xae: {  	[dreg:$0x0] =	wrdreg $0x60  }
0xaf: {  	[dreg:$0x2] =	wrdreg s2  }
0xb0: {  	[dreg:$0x3] =	wrdreg s18  }
0xb1: {  	[dreg:$0x4] =	wrdreg s24  }
0xb2: {  	[dreg:$0x5] =	wrdreg $0x9  }
0xb3: {  	_ =	task.clear_ibuf [dreg:s8], $0x6FFFF;
	_ =	strace $0x90000046  }
0xb4: {  	s29 =	simm.s32 $0x9;
	_ =	strace $0x80000048  }
0xb5: {  	_ =	swait.ge [sflag:s29], $0x1  }
0xb6: {  	[sflag:s29] =	ssyncadd.s32 $0xFFFFFFFF  }
0xb7: {  	_ =	strace $0x90000048  }
0xb8: {  	_ =	sfence  }
0xb9: {  	s30 =	sld [smem:$0x0];
	_ =	sdelay $0x2  }
0xba: {  	s31 =	sshll.u32 s1, $0xD;
	s1 =	sshrl.u32 s1, $0x2  }
0xbb: {  	s3 =	sand.u32 $0x4000, s31;
	s1 =	sadd.s32 s1, s30  }
0xbc: {  	s0 =	sor.u32 s3, s0;
	s1 =	sshll.u32 s1, $0x11  }
0xbd: {  	s0 =	sor.u32 s1, s0  }
0xbe: {  	s0 =	sadd.s32 $0x8F2B, s0  }
0xbf: {  	[sflag:s0] =	ssyncadd.remote.s32 $0x1  }
0xc0: {  	_ =	sfence.sel $0xFFFF  }
0xc1: {  	[dreg:$0x0] =	wrdreg $0xFFFFFFFF;
	(pc) =	sbr.abs _section_cstart, $3  }
0xc2: {  	[dreg:$0x1] =	wrdreg $0xFFFFFFFF  }
0xc3: {  	_ =	task.clear_ibuf [dreg:s8], $0x2FFFF;
	_ =	strace $0x9FFFFFFF  }
0xc4: {  	(tm) =	ssettm $0x7FFFFFFF  }
0xc5: {  	_ =	shalt  }
tec
execute0_lowered:
.L_overlay_start_1:
0x0: {  	(tag) =	ssettag $0x1  }
0x1: {  	s1 =	rddreg [dreg:$0x0];
	s0 =	srdreg.scid  }
0x2: {  	s2 =	rddreg [dreg:$0x1];
	s9 =	stileid.u32  }
0x3: {  	s4 =	rddreg [dreg:$0x2];
	s3 =	simm.s32 $0x0;
	s16 =	simm.s32 $0x32  }
0x4: {  	s28 =	simm.s32 $0xCC00;
	s30 =	simm.s32 $0xE800;
	s29 =	simm.s32 $0x7  }
0x5: {  	s31 =	simm.s32 $0x8;
	s10 =	simm.s32 $0xE;
	s11 =	simm.s32 $0xF  }
0x6: {  	s12 =	simm.s32 $0x10;
	s13 =	simm.s32 $0x0;
	s0 =	sand.u32 $0x1, s0  }
0x7: {  	s5 =	sshll.u32 s9, $0x8;
	[smem:$0x7FF] =	sst s3;
	s4 =	sadd.s32 $0x400, s4  }
0x8: {  	s19 =	smul.u32 $0x38000, s9;
	s9 =	simm.s32 $0xD;
	s6 =	sshll.u32 s0, $0x7  }
0x9: {  	s17 =	ssub.s32 $0x2, s0;
	_ =	strace $0x80000047;
	s5 =	sor.u32 s6, s5  }
0xa: {  	s8 =	sshrl.u32 s17, $0x1;
	s7 =	smul.u32 $0x380, s5;
	s5 =	sshll.u32 s5, $0x4  }
0xb: {  	s0 =	smul.u32 $0x1C000, s0;
	s6 =	ssub.s32 s17, s8;
	s2 =	sadd.s32 s2, s5  }
0xc: {  	s17 =	simm.s32 $0x4000;
	s26 =	smax.u32 s6, $0x1;
	[dreg:$0x5] =	wrdreg s2  }
0xd: {  	s8 =	simm.s32 $0xC;
	s7 =	sadd.s32 s4, s7;
	[dreg:$0xd] =	wrdreg s26  }
0xe: {  	s5 =	simm.s32 $0x9;
	s18 =	sadd.s32 $0x380, s7;
	[dreg:$0x4] =	wrdreg s7  }
0xf: {  	s6 =	simm.s32 $0xA;
	s20 =	sadd.s32 $0x700, s7;
	[dreg:$0x6] =	wrdreg s18  }
0x10: {  	s2 =	sadd.s32 s19, s4;
	s21 =	sadd.s32 $0xA80, s7;
	[dreg:$0x7] =	wrdreg s20  }
0x11: {  	s19 =	simm.s32 $0x5C00;
	s22 =	sadd.s32 $0xE00, s7;
	[dreg:$0x8] =	wrdreg s21  }
0x12: {  	s26 =	simm.s32 $0x6;
	s23 =	sadd.s32 $0x1180, s7;
	[dreg:$0x9] =	wrdreg s22  }
0x13: {  	s24 =	sadd.s32 $0x1500, s7;
	s25 =	sadd.s32 $0x1880, s7;
	[dreg:$0xa] =	wrdreg s23  }
0x14: {  	s0 =	sadd.s32 s0, s2;
	s2 =	simm.s32 $0x10400;
	[dreg:$0xb] =	wrdreg s24  }
0x15: {  	s7 =	simm.s32 $0xB;
	[dreg:$0xc] =	wrdreg s25;
	s0 =	sadd.s32 $0x1C00, s0  }
0x16: {  	s21 =	simm.s32 $0x7800;
	s23 =	simm.s32 $0x9400;
	s25 =	simm.s32 $0xB000  }
0x17: {  	s18 =	simm.s32 $0x2;
	s20 =	simm.s32 $0x3;
	s22 =	simm.s32 $0x4  }
0x18: {  	s24 =	simm.s32 $0x5;
	[dreg:$0xe] =	wrdreg s0;
	s0 =	simm.s32 $0x1  }
.LBB2_1:
0x19: {  	[dreg:$0xf] =	wrdreg s13  }
0x1a: {  	s4 =	rddreg [dreg:$0x5];
	s13 =	simm.s32 $0x11  }
0x1b: {  	[tilespmem:s3], [sflag:$0x11] =	stream.linear.gather [hbm4b:s4+s3], $0x4000, $0x38;
	[tilespmem:$0x12000] =	vst v63  }
0x1c: {  	_ =	swait.ge [sflag:s13], $0x4000  }
0x1d: {  	[sflag:s13] =	ssyncset.done $0x0  }
0x1e: {  	[sflag:s13] =	ssyncadd.s32 $0xFFFFC000  }
0x1f: {  	[tilespmem:s17], [sflag:$0x1] =	stream.indirect.gather [hbm4b:s1+s16], $0x80, s3, s16, $0xb8;
	[tilespmem:$0x12000] =	vst v63  }
0x20: {  	s14 =	simm.s32 $0x80  }
0x21: {  	[tilespmem:s19], [sflag:$0x2] =	stream.indirect.gather [hbm4b:s1+s16], $0x80, s14, s16, $0xb8;
	[tilespmem:$0x12000] =	vst v63  }
0x22: {  	s15 =	simm.s32 $0x100  }
0x23: {  	[tilespmem:s21], [sflag:$0x3] =	stream.indirect.gather [hbm4b:s1+s16], $0x80, s15, s16, $0xb8;
	[tilespmem:$0x12000] =	vst v63  }
0x24: {  	s13 =	simm.s32 $0x180  }
0x25: {  	[tilespmem:s23], [sflag:$0x4] =	stream.indirect.gather [hbm4b:s1+s16], $0x80, s13, s16, $0xb8;
	[tilespmem:$0x12000] =	vst v63  }
0x26: {  	s14 =	simm.s32 $0x200  }
0x27: {  	[tilespmem:s25], [sflag:$0x5] =	stream.indirect.gather [hbm4b:s1+s16], $0x80, s14, s16, $0xb8;
	[tilespmem:$0x12000] =	vst v63  }
0x28: {  	s15 =	simm.s32 $0x280  }
0x29: {  	[tilespmem:s28], [sflag:$0x6] =	stream.indirect.gather [hbm4b:s1+s16], $0x80, s15, s16, $0xb8;
	[tilespmem:$0x12000] =	vst v63  }
0x2a: {  	s13 =	simm.s32 $0x300  }
0x2b: {  	[tilespmem:s30], [sflag:$0x7] =	stream.indirect.gather [hbm4b:s1+s16], $0x80, s13, s16, $0xb8;
	[tilespmem:$0x12000] =	vst v63  }
0x2c: {  	s14 =	simm.s32 $0x380  }
0x2d: {  	[tilespmem:s2], [sflag:$0x8] =	stream.indirect.gather [hbm4b:s1+s16], $0x80, s14, s16, $0xb8;
	[tilespmem:$0x12000] =	vst v63  }
0x2e: {  	_ =	swait.ge [sflag:s0], $0x1900  }
0x2f: {  	[sflag:s0] =	ssyncset.done $0x0  }
0x30: {  	s15 =	rddreg [dreg:$0x4];
	[sflag:s0] =	ssyncadd.s32 $0xFFFFE700  }
0x31: {  	[hbm4b:s15+s3] =	stream.linear.scatter [tilespmem:s17], [sflag:$0x9], $0x1900, $0x38;
	[tilespmem:$0x12000] =	vst v63  }
0x32: {  	_ =	swait.ge [sflag:s18], $0x1900  }
0x33: {  	[sflag:s18] =	ssyncset.done $0x0  }
0x34: {  	s13 =	rddreg [dreg:$0x6];
	[sflag:s18] =	ssyncadd.s32 $0xFFFFE700  }
0x35: {  	[hbm4b:s13+s3] =	stream.linear.scatter [tilespmem:s19], [sflag:$0xA], $0x1900, $0x38;
	[tilespmem:$0x12000] =	vst v63  }
0x36: {  	_ =	swait.ge [sflag:s20], $0x1900  }
0x37: {  	[sflag:s20] =	ssyncset.done $0x0  }
0x38: {  	s14 =	rddreg [dreg:$0x7];
	[sflag:s20] =	ssyncadd.s32 $0xFFFFE700  }
0x39: {  	[hbm4b:s14+s3] =	stream.linear.scatter [tilespmem:s21], [sflag:$0xB], $0x1900, $0x38;
	[tilespmem:$0x12000] =	vst v63  }
0x3a: {  	_ =	swait.ge [sflag:s22], $0x1900  }
0x3b: {  	[sflag:s22] =	ssyncset.done $0x0  }
0x3c: {  	s15 =	rddreg [dreg:$0x8];
	[sflag:s22] =	ssyncadd.s32 $0xFFFFE700  }
0x3d: {  	[hbm4b:s15+s3] =	stream.linear.scatter [tilespmem:s23], [sflag:$0xC], $0x1900, $0x38;
	[tilespmem:$0x12000] =	vst v63  }
0x3e: {  	_ =	swait.ge [sflag:s24], $0x1900  }
0x3f: {  	[sflag:s24] =	ssyncset.done $0x0  }
0x40: {  	s13 =	rddreg [dreg:$0x9];
	[sflag:s24] =	ssyncadd.s32 $0xFFFFE700  }
0x41: {  	[hbm4b:s13+s3] =	stream.linear.scatter [tilespmem:s25], [sflag:$0xD], $0x1900, $0x38;
	[tilespmem:$0x12000] =	vst v63  }
0x42: {  	_ =	swait.ge [sflag:s26], $0x1900  }
0x43: {  	[sflag:s26] =	ssyncset.done $0x0  }
0x44: {  	s14 =	rddreg [dreg:$0xa];
	[sflag:s26] =	ssyncadd.s32 $0xFFFFE700  }
0x45: {  	[hbm4b:s14+s3] =	stream.linear.scatter [tilespmem:s28], [sflag:$0xE], $0x1900, $0x38;
	[tilespmem:$0x12000] =	vst v63  }
0x46: {  	_ =	swait.ge [sflag:s29], $0x1900  }
0x47: {  	[sflag:s29] =	ssyncset.done $0x0  }
0x48: {  	s15 =	rddreg [dreg:$0xb];
	[sflag:s29] =	ssyncadd.s32 $0xFFFFE700  }
0x49: {  	[hbm4b:s15+s3] =	stream.linear.scatter [tilespmem:s30], [sflag:$0xF], $0x1900, $0x38;
	[tilespmem:$0x12000] =	vst v63  }
0x4a: {  	_ =	swait.ge [sflag:s31], $0x1900  }
0x4b: {  	[sflag:s31] =	ssyncset.done $0x0  }
0x4c: {  	s13 =	rddreg [dreg:$0xc];
	[sflag:s31] =	ssyncadd.s32 $0xFFFFE700  }
0x4d: {  	[hbm4b:s13+s3] =	stream.linear.scatter [tilespmem:s2], [sflag:$0x10], $0x1900, $0x38;
	[tilespmem:$0x12000] =	vst v63  }
0x4e: {  	_ =	swait.ge [sflag:s5], $0x1900  }
0x4f: {  	[sflag:s5] =	ssyncset.done $0x0  }
0x50: {  	s14 =	simm.s32 $0x400;
	[sflag:s5] =	ssyncadd.s32 $0xFFFFE700  }
0x51: {  	[tilespmem:s17], [sflag:$0x1] =	stream.indirect.gather [hbm4b:s1+s16], $0x80, s14, s16, $0xb8;
	[tilespmem:$0x12000] =	vst v63  }
0x52: {  	_ =	swait.ge [sflag:s6], $0x1900  }
0x53: {  	[sflag:s6] =	ssyncset.done $0x0  }
0x54: {  	s15 =	simm.s32 $0x480;
	[sflag:s6] =	ssyncadd.s32 $0xFFFFE700  }
0x55: {  	[tilespmem:s19], [sflag:$0x2] =	stream.indirect.gather [hbm4b:s1+s16], $0x80, s15, s16, $0xb8;
	[tilespmem:$0x12000] =	vst v63  }
0x56: {  	_ =	swait.ge [sflag:s7], $0x1900  }
0x57: {  	[sflag:s7] =	ssyncset.done $0x0  }
0x58: {  	s13 =	simm.s32 $0x500;
	[sflag:s7] =	ssyncadd.s32 $0xFFFFE700  }
0x59: {  	[tilespmem:s21], [sflag:$0x3] =	stream.indirect.gather [hbm4b:s1+s16], $0x80, s13, s16, $0xb8;
	[tilespmem:$0x12000] =	vst v63  }
0x5a: {  	_ =	swait.ge [sflag:s8], $0x1900  }
0x5b: {  	[sflag:s8] =	ssyncset.done $0x0  }
0x5c: {  	s14 =	simm.s32 $0x580;
	[sflag:s8] =	ssyncadd.s32 $0xFFFFE700  }
0x5d: {  	[tilespmem:s23], [sflag:$0x4] =	stream.indirect.gather [hbm4b:s1+s16], $0x80, s14, s16, $0xb8;
	[tilespmem:$0x12000] =	vst v63  }
0x5e: {  	_ =	swait.ge [sflag:s9], $0x1900  }
0x5f: {  	[sflag:s9] =	ssyncset.done $0x0  }
0x60: {  	s15 =	simm.s32 $0x600;
	[sflag:s9] =	ssyncadd.s32 $0xFFFFE700  }
0x61: {  	[tilespmem:s25], [sflag:$0x5] =	stream.indirect.gather [hbm4b:s1+s16], $0x80, s15, s16, $0xb8;
	[tilespmem:$0x12000] =	vst v63  }
0x62: {  	_ =	swait.ge [sflag:s10], $0x1900  }
0x63: {  	[sflag:s10] =	ssyncset.done $0x0  }
0x64: {  	s13 =	simm.s32 $0x680;
	[sflag:s10] =	ssyncadd.s32 $0xFFFFE700  }
0x65: {  	[tilespmem:s28], [sflag:$0x6] =	stream.indirect.gather [hbm4b:s1+s16], $0x80, s13, s16, $0xb8;
	[tilespmem:$0x12000] =	vst v63  }
0x66: {  	_ =	swait.ge [sflag:s11], $0x1900  }
0x67: {  	[sflag:s11] =	ssyncset.done $0x0  }
0x68: {  	s14 =	simm.s32 $0x700;
	[sflag:s11] =	ssyncadd.s32 $0xFFFFE700  }
0x69: {  	[tilespmem:s30], [sflag:$0x7] =	stream.indirect.gather [hbm4b:s1+s16], $0x80, s14, s16, $0xb8;
	[tilespmem:$0x12000] =	vst v63  }
0x6a: {  	_ =	swait.ge [sflag:s12], $0x1900  }
0x6b: {  	[sflag:s12] =	ssyncset.done $0x0  }
0x6c: {  	s15 =	simm.s32 $0x780;
	[sflag:s12] =	ssyncadd.s32 $0xFFFFE700  }
0x6d: {  	[tilespmem:s2], [sflag:$0x8] =	stream.indirect.gather [hbm4b:s1+s16], $0x80, s15, s16, $0xb8;
	[tilespmem:$0x12000] =	vst v63  }
0x6e: {  	_ =	swait.ge [sflag:s0], $0x1900  }
0x6f: {  	[sflag:s0] =	ssyncset.done $0x0  }
0x70: {  	s14 =	rddreg [dreg:$0xe];
	[sflag:s0] =	ssyncadd.s32 $0xFFFFE700  }
0x71: {  	[hbm4b:s14+s3] =	stream.linear.scatter [tilespmem:s17], [sflag:$0x9], $0x1900, $0x38;
	[tilespmem:$0x12000] =	vst v63  }
0x72: {  	_ =	swait.ge [sflag:s18], $0x1900  }
0x73: {  	[sflag:s18] =	ssyncset.done $0x0  }
0x74: {  	s13 =	sadd.s32 $0x380, s14;
	[sflag:s18] =	ssyncadd.s32 $0xFFFFE700  }
0x75: {  	[hbm4b:s13+s3] =	stream.linear.scatter [tilespmem:s19], [sflag:$0xA], $0x1900, $0x38;
	[tilespmem:$0x12000] =	vst v63  }
0x76: {  	_ =	swait.ge [sflag:s20], $0x1900  }
0x77: {  	[sflag:s20] =	ssyncset.done $0x0  }
0x78: {  	s15 =	sadd.s32 $0x700, s14;
	[sflag:s20] =	ssyncadd.s32 $0xFFFFE700  }
0x79: {  	[hbm4b:s15+s3] =	stream.linear.scatter [tilespmem:s21], [sflag:$0xB], $0x1900, $0x38;
	[tilespmem:$0x12000] =	vst v63  }
0x7a: {  	_ =	swait.ge [sflag:s22], $0x1900  }
0x7b: {  	[sflag:s22] =	ssyncset.done $0x0  }
0x7c: {  	s13 =	sadd.s32 $0xA80, s14;
	[sflag:s22] =	ssyncadd.s32 $0xFFFFE700  }
0x7d: {  	[hbm4b:s13+s3] =	stream.linear.scatter [tilespmem:s23], [sflag:$0xC], $0x1900, $0x38;
	[tilespmem:$0x12000] =	vst v63  }
0x7e: {  	_ =	swait.ge [sflag:s24], $0x1900  }
0x7f: {  	[sflag:s24] =	ssyncset.done $0x0  }
0x80: {  	s15 =	sadd.s32 $0xE00, s14;
	[sflag:s24] =	ssyncadd.s32 $0xFFFFE700  }
0x81: {  	[hbm4b:s15+s3] =	stream.linear.scatter [tilespmem:s25], [sflag:$0xD], $0x1900, $0x38;
	[tilespmem:$0x12000] =	vst v63  }
0x82: {  	_ =	swait.ge [sflag:s26], $0x1900  }
0x83: {  	[sflag:s26] =	ssyncset.done $0x0  }
0x84: {  	s13 =	sadd.s32 $0x1180, s14;
	[sflag:s26] =	ssyncadd.s32 $0xFFFFE700  }
0x85: {  	[hbm4b:s13+s3] =	stream.linear.scatter [tilespmem:s28], [sflag:$0xE], $0x1900, $0x38;
	[tilespmem:$0x12000] =	vst v63  }
0x86: {  	_ =	swait.ge [sflag:s29], $0x1900  }
0x87: {  	[sflag:s29] =	ssyncset.done $0x0  }
0x88: {  	s15 =	sadd.s32 $0x1500, s14;
	[sflag:s29] =	ssyncadd.s32 $0xFFFFE700  }
0x89: {  	[hbm4b:s15+s3] =	stream.linear.scatter [tilespmem:s30], [sflag:$0xF], $0x1900, $0x38;
	[tilespmem:$0x12000] =	vst v63  }
0x8a: {  	_ =	swait.ge [sflag:s31], $0x1900  }
0x8b: {  	s4 =	simm.s32 $0x1000;
	[sflag:s31] =	ssyncset.done $0x0  }
0x8c: {  	s13 =	sadd.s32 $0x1880, s14;
	s15 =	sadd.s32 $0x1C00, s14;
	[sflag:s31] =	ssyncadd.s32 $0xFFFFE700  }
.LBB2_2:
0x8d: {  	[hbm4b:s13+s3] =	stream.linear.scatter [tilespmem:s2], [sflag:$0x10], $0x1900, $0x38;
	[tilespmem:$0x12000] =	vst v63  }
0x8e: {  	s13 =	smov.u32 s4  }
0x8f: {  	p0 =	sne.s32 s4, $0xE000;
	s4 =	sadd.s32 $0x1000, s4;
	_ =	swait.ge [sflag:s5], $0x1900  }
0x90: {  	s13 =	sshra.s32 s13, $0x2;
	[sflag:s5] =	ssyncset.done $0x0  }
0x91: {  	s14 =	sadd.s32 $0x400, s13;
	[sflag:s5] =	ssyncadd.s32 $0xFFFFE700  }
0x92: {  	[tilespmem:s17], [sflag:$0x1] =	stream.indirect.gather [hbm4b:s1+s16], $0x80, s14, s16, $0xb8;
	[tilespmem:$0x12000] =	vst v63  }
0x93: {  	_ =	swait.ge [sflag:s6], $0x1900  }
0x94: {  	[sflag:s6] =	ssyncset.done $0x0  }
0x95: {  	s14 =	sadd.s32 $0x480, s13;
	[sflag:s6] =	ssyncadd.s32 $0xFFFFE700  }
0x96: {  	[tilespmem:s19], [sflag:$0x2] =	stream.indirect.gather [hbm4b:s1+s16], $0x80, s14, s16, $0xb8;
	[tilespmem:$0x12000] =	vst v63  }
0x97: {  	_ =	swait.ge [sflag:s7], $0x1900  }
0x98: {  	[sflag:s7] =	ssyncset.done $0x0  }
0x99: {  	s14 =	sadd.s32 $0x500, s13;
	[sflag:s7] =	ssyncadd.s32 $0xFFFFE700  }
0x9a: {  	[tilespmem:s21], [sflag:$0x3] =	stream.indirect.gather [hbm4b:s1+s16], $0x80, s14, s16, $0xb8;
	[tilespmem:$0x12000] =	vst v63  }
0x9b: {  	_ =	swait.ge [sflag:s8], $0x1900  }
0x9c: {  	[sflag:s8] =	ssyncset.done $0x0  }
0x9d: {  	s14 =	sadd.s32 $0x580, s13;
	[sflag:s8] =	ssyncadd.s32 $0xFFFFE700  }
0x9e: {  	[tilespmem:s23], [sflag:$0x4] =	stream.indirect.gather [hbm4b:s1+s16], $0x80, s14, s16, $0xb8;
	[tilespmem:$0x12000] =	vst v63  }
0x9f: {  	_ =	swait.ge [sflag:s9], $0x1900  }
0xa0: {  	[sflag:s9] =	ssyncset.done $0x0  }
0xa1: {  	s14 =	sadd.s32 $0x600, s13;
	[sflag:s9] =	ssyncadd.s32 $0xFFFFE700  }
0xa2: {  	[tilespmem:s25], [sflag:$0x5] =	stream.indirect.gather [hbm4b:s1+s16], $0x80, s14, s16, $0xb8;
	[tilespmem:$0x12000] =	vst v63  }
0xa3: {  	_ =	swait.ge [sflag:s10], $0x1900  }
0xa4: {  	[sflag:s10] =	ssyncset.done $0x0  }
0xa5: {  	s14 =	sadd.s32 $0x680, s13;
	[sflag:s10] =	ssyncadd.s32 $0xFFFFE700  }
0xa6: {  	[tilespmem:s28], [sflag:$0x6] =	stream.indirect.gather [hbm4b:s1+s16], $0x80, s14, s16, $0xb8;
	[tilespmem:$0x12000] =	vst v63  }
0xa7: {  	_ =	swait.ge [sflag:s11], $0x1900  }
0xa8: {  	[sflag:s11] =	ssyncset.done $0x0  }
0xa9: {  	s14 =	sadd.s32 $0x700, s13;
	[sflag:s11] =	ssyncadd.s32 $0xFFFFE700  }
0xaa: {  	[tilespmem:s30], [sflag:$0x7] =	stream.indirect.gather [hbm4b:s1+s16], $0x80, s14, s16, $0xb8;
	[tilespmem:$0x12000] =	vst v63  }
0xab: {  	_ =	swait.ge [sflag:s12], $0x1900  }
0xac: {  	[sflag:s12] =	ssyncset.done $0x0  }
0xad: {  	s13 =	sadd.s32 $0x780, s13;
	[sflag:s12] =	ssyncadd.s32 $0xFFFFE700  }
0xae: {  	[tilespmem:s2], [sflag:$0x8] =	stream.indirect.gather [hbm4b:s1+s16], $0x80, s13, s16, $0xb8;
	[tilespmem:$0x12000] =	vst v63  }
0xaf: {  	_ =	swait.ge [sflag:s0], $0x1900  }
0xb0: {  	[sflag:s0] =	ssyncset.done $0x0  }
0xb1: {  	[sflag:s0] =	ssyncadd.s32 $0xFFFFE700  }
0xb2: {  	[hbm4b:s15+s3] =	stream.linear.scatter [tilespmem:s17], [sflag:$0x9], $0x1900, $0x38;
	[tilespmem:$0x12000] =	vst v63  }
0xb3: {  	_ =	swait.ge [sflag:s18], $0x1900  }
0xb4: {  	[sflag:s18] =	ssyncset.done $0x0  }
0xb5: {  	s13 =	sadd.s32 $0x380, s15;
	[sflag:s18] =	ssyncadd.s32 $0xFFFFE700  }
0xb6: {  	[hbm4b:s13+s3] =	stream.linear.scatter [tilespmem:s19], [sflag:$0xA], $0x1900, $0x38;
	[tilespmem:$0x12000] =	vst v63  }
0xb7: {  	_ =	swait.ge [sflag:s20], $0x1900  }
0xb8: {  	[sflag:s20] =	ssyncset.done $0x0  }
0xb9: {  	s13 =	sadd.s32 $0x700, s15;
	[sflag:s20] =	ssyncadd.s32 $0xFFFFE700  }
0xba: {  	[hbm4b:s13+s3] =	stream.linear.scatter [tilespmem:s21], [sflag:$0xB], $0x1900, $0x38;
	[tilespmem:$0x12000] =	vst v63  }
0xbb: {  	_ =	swait.ge [sflag:s22], $0x1900  }
0xbc: {  	[sflag:s22] =	ssyncset.done $0x0  }
0xbd: {  	s13 =	sadd.s32 $0xA80, s15;
	[sflag:s22] =	ssyncadd.s32 $0xFFFFE700  }
0xbe: {  	[hbm4b:s13+s3] =	stream.linear.scatter [tilespmem:s23], [sflag:$0xC], $0x1900, $0x38;
	[tilespmem:$0x12000] =	vst v63  }
0xbf: {  	_ =	swait.ge [sflag:s24], $0x1900  }
0xc0: {  	[sflag:s24] =	ssyncset.done $0x0  }
0xc1: {  	s13 =	sadd.s32 $0xE00, s15;
	[sflag:s24] =	ssyncadd.s32 $0xFFFFE700  }
0xc2: {  	[hbm4b:s13+s3] =	stream.linear.scatter [tilespmem:s25], [sflag:$0xD], $0x1900, $0x38;
	[tilespmem:$0x12000] =	vst v63  }
0xc3: {  	_ =	swait.ge [sflag:s26], $0x1900  }
0xc4: {  	[sflag:s26] =	ssyncset.done $0x0  }
0xc5: {  	s13 =	sadd.s32 $0x1180, s15;
	[sflag:s26] =	ssyncadd.s32 $0xFFFFE700  }
0xc6: {  	[hbm4b:s13+s3] =	stream.linear.scatter [tilespmem:s28], [sflag:$0xE], $0x1900, $0x38;
	[tilespmem:$0x12000] =	vst v63  }
0xc7: {  	_ =	swait.ge [sflag:s29], $0x1900  }
0xc8: {  	[sflag:s29] =	ssyncset.done $0x0  }
.Ltmp0:
0xc9: {  	s13 =	sadd.s32 $0x1500, s15;
	[sflag:s29] =	ssyncadd.s32 $0xFFFFE700;
	(pc) =	sbr.rel @p0 .LBB2_2-.Ltmp0, $4  }
0xca: {  	[hbm4b:s13+s3] =	stream.linear.scatter [tilespmem:s30], [sflag:$0xF], $0x1900, $0x38;
	[tilespmem:$0x12000] =	vst v63  }
0xcb: {  	_ =	swait.ge [sflag:s31], $0x1900  }
0xcc: {  	[sflag:s31] =	ssyncset.done $0x0  }
0xcd: {  	s13 =	sadd.s32 $0x1880, s15;
	s15 =	sadd.s32 $0x1C00, s15;
	[sflag:s31] =	ssyncadd.s32 $0xFFFFE700  }
0xce: {  	[hbm4b:s13+s3] =	stream.linear.scatter [tilespmem:s2], [sflag:$0x10], $0x1900, $0x38;
	[tilespmem:$0x12000] =	vst v63  }
0xcf: {  	_ =	swait.ge [sflag:s5], $0x1900  }
0xd0: {  	[sflag:s5] =	ssyncset.done $0x0  }
0xd1: {  	[sflag:s5] =	ssyncadd.s32 $0xFFFFE700  }
0xd2: {  	_ =	swait.ge [sflag:s6], $0x1900  }
0xd3: {  	[sflag:s6] =	ssyncset.done $0x0  }
0xd4: {  	[sflag:s6] =	ssyncadd.s32 $0xFFFFE700  }
0xd5: {  	_ =	swait.ge [sflag:s7], $0x1900  }
0xd6: {  	[sflag:s7] =	ssyncset.done $0x0  }
0xd7: {  	[sflag:s7] =	ssyncadd.s32 $0xFFFFE700  }
0xd8: {  	_ =	swait.ge [sflag:s8], $0x1900  }
0xd9: {  	[sflag:s8] =	ssyncset.done $0x0  }
0xda: {  	[sflag:s8] =	ssyncadd.s32 $0xFFFFE700  }
0xdb: {  	_ =	swait.ge [sflag:s9], $0x1900  }
0xdc: {  	[sflag:s9] =	ssyncset.done $0x0  }
0xdd: {  	[sflag:s9] =	ssyncadd.s32 $0xFFFFE700  }
0xde: {  	_ =	swait.ge [sflag:s10], $0x1900  }
0xdf: {  	[sflag:s10] =	ssyncset.done $0x0  }
0xe0: {  	[sflag:s10] =	ssyncadd.s32 $0xFFFFE700  }
0xe1: {  	_ =	swait.ge [sflag:s11], $0x1900  }
0xe2: {  	[sflag:s11] =	ssyncset.done $0x0  }
0xe3: {  	[sflag:s11] =	ssyncadd.s32 $0xFFFFE700  }
0xe4: {  	_ =	swait.ge [sflag:s12], $0x1900  }
0xe5: {  	s15 =	rddreg [dreg:$0xf]  }
0xe6: {  	s4 =	rddreg [dreg:$0xd];
	s13 =	sadd.s32 $0x1, s15  }
0xe7: {  	p0 =	sne.s32 s13, s4  }
.Ltmp1:
0xe8: {  	_ = 	snop;
	(pc) =	sbr.rel @p0 .LBB2_1-.Ltmp1, $3  }
0xe9: {  	_ =	sdelay $0x1  }
0xea: {  	[sflag:s12] =	ssyncset.done $0x0  }
0xeb: {  	[sflag:s12] =	ssyncadd.s32 $0xFFFFE700  }
0xec: {  	_ =	sfence.sel $0x180000  }
0xed: {  	[bflag:$0x0] =	sbarrier.arrive $0xFFFF  }
0xee: {  	_ =	strace $0x90000047  }
0xef: {  	s0 =	stileid.u32;
	[bflag:$0x2] =	sbarrier.arrive $0xFFFF  }
0xf0: {  	p0 =	sne.s32 s0, $0x0;
	s0 =	rddreg [dreg:$0x3]  }
0xf1: {  	s0 =	sadd.s32 @!p0 $0x100000, s0  }
0xf2: {  	[sflag:s0] =	ssyncadd.tile.s32 @!p0 $0x1;
	_ =	shalt  }
.Lfunc_end2:
_tile_overlayer_lowered:
.L_overlay_start_2:
0xf3: {  	(tag) =	ssettag $0x2  }
0xf4: {  	s0 =	rddreg [dreg:$0x0];
	s2 =	stileid.u32  }
0xf5: {  	s1 =	rddreg [dreg:$0x1];
	p0 =	sne.s32 s2, $0x0  }
0xf6: {  	s3 =	rddreg [dreg:$0x2];
	[bflag:$0x3] =	sbarrier.arrive $0xFFFF;
	s2 =	simm.s32 @!p0 $0x1C11  }
0xf7: {  	[timem:s3], [sflag:s2] =	dma.local @!p0 [hbm:s0], s1  }
0xf8: {  	s0 =	simm.s32 @!p0 $0x11  }
0xf9: {  	_ =	swait.ge @!p0 [sflag:s0], s1  }
0xfa: {  	s1 =	ssub.s32 @!p0 $0x0, s1;
	[sflag:s0] =	ssyncset.done @!p0 $0x0  }
0xfb: {  	[sflag:s0] =	ssyncadd.s32 @!p0 s1  }
0xfc: {  	[bflag:$0x3] =	sbarrier.arrive $0xFFFF  }
0xfd: {  	_ =	shalt  }

</sc_bundles>
